<compile_context>
chip_gen: v7x
topology: tpu7x:2x2x1
jax: 0.10.2.dev20260603
libtpu: 0.0.44.dev20260713+nightly
codegen_flags: <defaults>
</compile_context>

<pallas_src>
import functools
import math

import jax
import jax.numpy as jnp
from jax import lax
from jax.experimental import pallas as pl
from jax.experimental.pallas import tpu as pltpu
from jax.experimental.pallas import tpu_sc as plsc

D = 64
NC, NS, L = 2, 16, 16
NW = NC * NS
IDX_MINOR = 128
K = 4
R = K * IDX_MINOR
SCALE = math.sqrt(D)


def _make_emb(n_rows_per_w: int):
    ng = n_rows_per_w // K
    b_per_w = n_rows_per_w * IDX_MINOR
    assert n_rows_per_w % K == 0 and ng % 2 == 0

    mesh = plsc.VectorSubcoreMesh(core_axis_name="c", subcore_axis_name="s")

    def body(x_hbm, table_hbm, out_hbm, idx_v, buf0, buf1, sem0, sem1):
        wid = lax.axis_index("s") * NC + lax.axis_index("c")
        pltpu.sync_copy(x_hbm.at[wid], idx_v)
        bufs = (buf0, buf1)
        sems = (sem0, sem1)
        out_base = wid * b_per_w

        def fire(grp, b):
            for j in range(K):
                pltpu.async_copy(
                    table_hbm.at[idx_v.at[grp * K + j]],
                    bufs[b].at[pl.ds(j * IDX_MINOR, IDX_MINOR)],
                    sems[b],
                )

        fire(0, 0)
        fire(1, 1)

        @pl.loop(0, ng, step=2)
        def _outer(g):
            for b in range(2):
                grp = g + b
                buf = bufs[b]
                pltpu.make_async_copy(
                    table_hbm.at[pl.ds(0, R)], buf, sems[b]
                ).wait()

                @plsc.parallel_loop(0, R, step=1, unroll=8)
                def _scale(r):
                    for c in range(D // L):
                        sl = pl.ds(c * L, L)
                        buf[r, sl] = buf[r, sl] * SCALE

                pltpu.sync_copy(
                    buf,
                    out_hbm.at[pl.ds(out_base + grp * R, R), pl.ds(0, D)],
                )

                @pl.when(grp + 2 < ng)
                def _next():
                    fire(grp + 2, b)

    kern = pl.kernel(
        body,
        out_type=jax.ShapeDtypeStruct((NW * b_per_w, 2 * D), jnp.float32),
        mesh=mesh,
        scratch_types=[
            pltpu.VMEM((n_rows_per_w, IDX_MINOR), jnp.int32),
            pltpu.VMEM((R, D), jnp.float32),
            pltpu.VMEM((R, D), jnp.float32),
            pltpu.SemaphoreType.DMA,
            pltpu.SemaphoreType.DMA,
        ],
        compiler_params=pltpu.CompilerParams(use_tc_tiling_on_sc=False),
    )
    return kern


@jax.jit
def kernel(x, table):
    n, m = x.shape
    total = n * m
    n_rows_per_w = total // (NW * IDX_MINOR)
    xr = x.astype(jnp.int32).reshape(NW, n_rows_per_w, IDX_MINOR)
    out = _make_emb(n_rows_per_w)(xr, table)
    return out[:, :D].reshape(n, m, D)

# --- scband reference (transcript-rebuilt; emitter-appended) ---
"""Pipeline reference for scband-char-embedding-55301998903879 (READ-ONLY COPY).

The authoritative reference and input builder live on the scoring server;
editing this copy changes nothing except your own understanding.
"""

import jax, jax.numpy as jnp
import numpy as np
import math

VOCAB = 1000000
D_MODEL = 64

def setup_inputs(seed: int = 0) -> dict:
    key = jax.random.key(seed)
    k1, k2 = jax.random.split(key)
    x = jax.random.randint(k1, (4096, 200), 0, VOCAB, dtype=jnp.int64 if jax.config.jax_enable_x64 else jnp.int32)
    table = jax.random.normal(k2, (VOCAB, D_MODEL), dtype=jnp.float32)
    return {"x": x, "table": table}

def reference(x, table):
    # CharEmbedding.forward: sqrt(d_model) * embedding(x)
    emb = jnp.take(table, x, axis=0)
    return math.sqrt(D_MODEL) * emb

if __name__ == "__main__":
    import jax
    _d = setup_inputs()
    print(jax.jit(kernel)(*tuple(_d.values())))

</pallas_src>

<mosaic_0001>
#map = affine_map<(d0, d1) -> (0, 0, 0)>
#map1 = affine_map<(d0, d1) -> (0, 0)>
module attributes {stable_mosaic.version = 14 : i64} {
  func.func @body(%arg0: i32, %arg1: i32, %arg2: memref<32x200x128xi32, #tpu.memory_space<hbm>>, %arg3: memref<1000000x64xf32, #tpu.memory_space<hbm>>, %arg4: memref<819200x128xf32, #tpu.memory_space<hbm>>, %arg5: memref<200x128xi32, #tpu.memory_space<vmem>>, %arg6: memref<512x64xf32, #tpu.memory_space<vmem>>, %arg7: memref<512x64xf32, #tpu.memory_space<vmem>>, %arg8: memref<!tpu.dma_semaphore, #tpu.memory_space<semaphore_mem>>, %arg9: memref<!tpu.dma_semaphore, #tpu.memory_space<semaphore_mem>>) attributes {dimension_semantics = [#tpu.dimension_semantics<core_parallel>, #tpu.dimension_semantics<subcore_parallel>], iteration_bounds = array<i64: 2, 16>, scalar_prefetch = 0 : i64, scratch_operands = 5 : i64, tpu.core_type = #tpu.core_type<sc_vector_subcore>, window_params = [{transform_indices = #map}, {transform_indices = #map1}, {transform_indices = #map1}]} {
    %mul3A = arith.constant 2 : i32
    %mul3A_0 = arith.muli %arg1, %mul3A : i32
    %add3A = arith.addi %mul3A_0, %arg0 : i32
    "tpu.region"() ({
      %run_scoped3A = tpu.sem_alloc : memref<!tpu.dma_semaphore, #tpu.memory_space<semaphore_mem>>
      %dma_start3A_86 = arith.constant 0 : i32
      %dma_start3A_87 = arith.constant 0 : i32
      %dma_start3A_88 = tpu.memref_slice %arg2[%add3A, %dma_start3A_86, %dma_start3A_87] : memref<32x200x128xi32, #tpu.memory_space<hbm>> -> memref<1x200x128xi32, #tpu.memory_space<hbm>>
      %dma_start3A_89 = tpu.memref_squeeze %dma_start3A_88 : memref<1x200x128xi32, #tpu.memory_space<hbm>> -> memref<200x128xi32, #tpu.memory_space<hbm>>
      %dma_start3A_90 = arith.constant 0 : i32
      %dma_start3A_91 = arith.constant 0 : i32
      %dma_start3A_92 = tpu.memref_slice %arg2[%add3A, %dma_start3A_90, %dma_start3A_91] : memref<32x200x128xi32, #tpu.memory_space<hbm>> -> memref<1x200x128xi32, #tpu.memory_space<hbm>>
      %dma_start3A_93 = tpu.memref_squeeze %dma_start3A_92 : memref<1x200x128xi32, #tpu.memory_space<hbm>> -> memref<200x128xi32, #tpu.memory_space<hbm>>
      tpu.enqueue_dma source(%dma_start3A_93 : memref<200x128xi32, #tpu.memory_space<hbm>>) target(%arg5 : memref<200x128xi32, #tpu.memory_space<vmem>>) target_semaphore(%run_scoped3A : memref<!tpu.dma_semaphore, #tpu.memory_space<semaphore_mem>>)
      %dma_wait3A = arith.constant 0 : i32
      %dma_wait3A_94 = arith.constant 0 : i32
      %dma_wait3A_95 = tpu.memref_slice %arg2[%add3A, %dma_wait3A, %dma_wait3A_94] : memref<32x200x128xi32, #tpu.memory_space<hbm>> -> memref<1x200x128xi32, #tpu.memory_space<hbm>>
      %dma_wait3A_96 = tpu.memref_squeeze %dma_wait3A_95 : memref<1x200x128xi32, #tpu.memory_space<hbm>> -> memref<200x128xi32, #tpu.memory_space<hbm>>
      %dma_wait3A_97 = arith.constant 0 : i32
      %dma_wait3A_98 = arith.constant 0 : i32
      %dma_wait3A_99 = tpu.memref_slice %arg2[%add3A, %dma_wait3A_97, %dma_wait3A_98] : memref<32x200x128xi32, #tpu.memory_space<hbm>> -> memref<1x200x128xi32, #tpu.memory_space<hbm>>
      %dma_wait3A_100 = tpu.memref_squeeze %dma_wait3A_99 : memref<1x200x128xi32, #tpu.memory_space<hbm>> -> memref<200x128xi32, #tpu.memory_space<hbm>>
      tpu.wait_dma2 semaphore(%run_scoped3A : memref<!tpu.dma_semaphore, #tpu.memory_space<semaphore_mem>>) src(%dma_wait3A_100 : memref<200x128xi32, #tpu.memory_space<hbm>>) dst(%arg5 : memref<200x128xi32, #tpu.memory_space<vmem>>)
      tpu.yield
    }) : () -> ()
    %mul3A_1 = arith.constant 25600 : i32
    %mul3A_2 = arith.muli %add3A, %mul3A_1 : i32
    %dma_start3A = arith.constant 0 : i32
    %dma_start3A_3 = arith.constant 0 : i32
    %dma_start3A_4 = arith.constant 0 : i32
    %dma_start3A_5 = tpu.memref_slice %arg6[%dma_start3A_3, %dma_start3A_4] : memref<512x64xf32, #tpu.memory_space<vmem>> -> memref<128x64xf32, #tpu.memory_space<vmem>>
    %dma_start3A_6 = arith.constant 0 : i32
    %dma_start3A_7 = tpu.memref_slice %arg5[%dma_start3A, %dma_start3A_6] : memref<200x128xi32, #tpu.memory_space<vmem>> -> memref<1x128xi32, #tpu.memory_space<vmem>>
    %dma_start3A_8 = tpu.memref_squeeze %dma_start3A_7 : memref<1x128xi32, #tpu.memory_space<vmem>> -> memref<128xi32, #tpu.memory_space<vmem>>
    %dma_start3A_9 = arith.constant 0 : i32
    %dma_start3A_10 = arith.constant 0 : i32
    %dma_start3A_11 = tpu.memref_slice %arg3[%dma_start3A_9, %dma_start3A_10] : memref<1000000x64xf32, #tpu.memory_space<hbm>> -> memref<1000000x64xf32, #tpu.memory_space<hbm>>
    tpu.enqueue_indirect_dma source(%dma_start3A_11 : memref<1000000x64xf32, #tpu.memory_space<hbm>>) target(%dma_start3A_5 : memref<128x64xf32, #tpu.memory_space<vmem>>) offsets(%dma_start3A_8 : memref<128xi32, #tpu.memory_space<vmem>>) semaphore(%arg8 : memref<!tpu.dma_semaphore, #tpu.memory_space<semaphore_mem>>)
    %dma_start3A_12 = arith.constant 1 : i32
    %dma_start3A_13 = arith.constant 128 : i32
    %dma_start3A_14 = arith.constant 0 : i32
    %dma_start3A_15 = tpu.memref_slice %arg6[%dma_start3A_13, %dma_start3A_14] : memref<512x64xf32, #tpu.memory_space<vmem>> -> memref<128x64xf32, #tpu.memory_space<vmem>>
    %dma_start3A_16 = arith.constant 0 : i32
    %dma_start3A_17 = tpu.memref_slice %arg5[%dma_start3A_12, %dma_start3A_16] : memref<200x128xi32, #tpu.memory_space<vmem>> -> memref<1x128xi32, #tpu.memory_space<vmem>>
    %dma_start3A_18 = tpu.memref_squeeze %dma_start3A_17 : memref<1x128xi32, #tpu.memory_space<vmem>> -> memref<128xi32, #tpu.memory_space<vmem>>
    %dma_start3A_19 = arith.constant 0 : i32
    %dma_start3A_20 = arith.constant 0 : i32
    %dma_start3A_21 = tpu.memref_slice %arg3[%dma_start3A_19, %dma_start3A_20] : memref<1000000x64xf32, #tpu.memory_space<hbm>> -> memref<1000000x64xf32, #tpu.memory_space<hbm>>
    tpu.enqueue_indirect_dma source(%dma_start3A_21 : memref<1000000x64xf32, #tpu.memory_space<hbm>>) target(%dma_start3A_15 : memref<128x64xf32, #tpu.memory_space<vmem>>) offsets(%dma_start3A_18 : memref<128xi32, #tpu.memory_space<vmem>>) semaphore(%arg8 : memref<!tpu.dma_semaphore, #tpu.memory_space<semaphore_mem>>)
    %dma_start3A_22 = arith.constant 2 : i32
    %dma_start3A_23 = arith.constant 256 : i32
    %dma_start3A_24 = arith.constant 0 : i32
    %dma_start3A_25 = tpu.memref_slice %arg6[%dma_start3A_23, %dma_start3A_24] : memref<512x64xf32, #tpu.memory_space<vmem>> -> memref<128x64xf32, #tpu.memory_space<vmem>>
    %dma_start3A_26 = arith.constant 0 : i32
    %dma_start3A_27 = tpu.memref_slice %arg5[%dma_start3A_22, %dma_start3A_26] : memref<200x128xi32, #tpu.memory_space<vmem>> -> memref<1x128xi32, #tpu.memory_space<vmem>>
    %dma_start3A_28 = tpu.memref_squeeze %dma_start3A_27 : memref<1x128xi32, #tpu.memory_space<vmem>> -> memref<128xi32, #tpu.memory_space<vmem>>
    %dma_start3A_29 = arith.constant 0 : i32
    %dma_start3A_30 = arith.constant 0 : i32
    %dma_start3A_31 = tpu.memref_slice %arg3[%dma_start3A_29, %dma_start3A_30] : memref<1000000x64xf32, #tpu.memory_space<hbm>> -> memref<1000000x64xf32, #tpu.memory_space<hbm>>
    tpu.enqueue_indirect_dma source(%dma_start3A_31 : memref<1000000x64xf32, #tpu.memory_space<hbm>>) target(%dma_start3A_25 : memref<128x64xf32, #tpu.memory_space<vmem>>) offsets(%dma_start3A_28 : memref<128xi32, #tpu.memory_space<vmem>>) semaphore(%arg8 : memref<!tpu.dma_semaphore, #tpu.memory_space<semaphore_mem>>)
    %dma_start3A_32 = arith.constant 3 : i32
    %dma_start3A_33 = arith.constant 384 : i32
    %dma_start3A_34 = arith.constant 0 : i32
    %dma_start3A_35 = tpu.memref_slice %arg6[%dma_start3A_33, %dma_start3A_34] : memref<512x64xf32, #tpu.memory_space<vmem>> -> memref<128x64xf32, #tpu.memory_space<vmem>>
    %dma_start3A_36 = arith.constant 0 : i32
    %dma_start3A_37 = tpu.memref_slice %arg5[%dma_start3A_32, %dma_start3A_36] : memref<200x128xi32, #tpu.memory_space<vmem>> -> memref<1x128xi32, #tpu.memory_space<vmem>>
    %dma_start3A_38 = tpu.memref_squeeze %dma_start3A_37 : memref<1x128xi32, #tpu.memory_space<vmem>> -> memref<128xi32, #tpu.memory_space<vmem>>
    %dma_start3A_39 = arith.constant 0 : i32
    %dma_start3A_40 = arith.constant 0 : i32
    %dma_start3A_41 = tpu.memref_slice %arg3[%dma_start3A_39, %dma_start3A_40] : memref<1000000x64xf32, #tpu.memory_space<hbm>> -> memref<1000000x64xf32, #tpu.memory_space<hbm>>
    tpu.enqueue_indirect_dma source(%dma_start3A_41 : memref<1000000x64xf32, #tpu.memory_space<hbm>>) target(%dma_start3A_35 : memref<128x64xf32, #tpu.memory_space<vmem>>) offsets(%dma_start3A_38 : memref<128xi32, #tpu.memory_space<vmem>>) semaphore(%arg8 : memref<!tpu.dma_semaphore, #tpu.memory_space<semaphore_mem>>)
    %dma_start3A_42 = arith.constant 4 : i32
    %dma_start3A_43 = arith.constant 0 : i32
    %dma_start3A_44 = arith.constant 0 : i32
    %dma_start3A_45 = tpu.memref_slice %arg7[%dma_start3A_43, %dma_start3A_44] : memref<512x64xf32, #tpu.memory_space<vmem>> -> memref<128x64xf32, #tpu.memory_space<vmem>>
    %dma_start3A_46 = arith.constant 0 : i32
    %dma_start3A_47 = tpu.memref_slice %arg5[%dma_start3A_42, %dma_start3A_46] : memref<200x128xi32, #tpu.memory_space<vmem>> -> memref<1x128xi32, #tpu.memory_space<vmem>>
    %dma_start3A_48 = tpu.memref_squeeze %dma_start3A_47 : memref<1x128xi32, #tpu.memory_space<vmem>> -> memref<128xi32, #tpu.memory_space<vmem>>
    %dma_start3A_49 = arith.constant 0 : i32
    %dma_start3A_50 = arith.constant 0 : i32
    %dma_start3A_51 = tpu.memref_slice %arg3[%dma_start3A_49, %dma_start3A_50] : memref<1000000x64xf32, #tpu.memory_space<hbm>> -> memref<1000000x64xf32, #tpu.memory_space<hbm>>
    tpu.enqueue_indirect_dma source(%dma_start3A_51 : memref<1000000x64xf32, #tpu.memory_space<hbm>>) target(%dma_start3A_45 : memref<128x64xf32, #tpu.memory_space<vmem>>) offsets(%dma_start3A_48 : memref<128xi32, #tpu.memory_space<vmem>>) semaphore(%arg9 : memref<!tpu.dma_semaphore, #tpu.memory_space<semaphore_mem>>)
    %dma_start3A_52 = arith.constant 5 : i32
    %dma_start3A_53 = arith.constant 128 : i32
    %dma_start3A_54 = arith.constant 0 : i32
    %dma_start3A_55 = tpu.memref_slice %arg7[%dma_start3A_53, %dma_start3A_54] : memref<512x64xf32, #tpu.memory_space<vmem>> -> memref<128x64xf32, #tpu.memory_space<vmem>>
    %dma_start3A_56 = arith.constant 0 : i32
    %dma_start3A_57 = tpu.memref_slice %arg5[%dma_start3A_52, %dma_start3A_56] : memref<200x128xi32, #tpu.memory_space<vmem>> -> memref<1x128xi32, #tpu.memory_space<vmem>>
    %dma_start3A_58 = tpu.memref_squeeze %dma_start3A_57 : memref<1x128xi32, #tpu.memory_space<vmem>> -> memref<128xi32, #tpu.memory_space<vmem>>
    %dma_start3A_59 = arith.constant 0 : i32
    %dma_start3A_60 = arith.constant 0 : i32
    %dma_start3A_61 = tpu.memref_slice %arg3[%dma_start3A_59, %dma_start3A_60] : memref<1000000x64xf32, #tpu.memory_space<hbm>> -> memref<1000000x64xf32, #tpu.memory_space<hbm>>
    tpu.enqueue_indirect_dma source(%dma_start3A_61 : memref<1000000x64xf32, #tpu.memory_space<hbm>>) target(%dma_start3A_55 : memref<128x64xf32, #tpu.memory_space<vmem>>) offsets(%dma_start3A_58 : memref<128xi32, #tpu.memory_space<vmem>>) semaphore(%arg9 : memref<!tpu.dma_semaphore, #tpu.memory_space<semaphore_mem>>)
    %dma_start3A_62 = arith.constant 6 : i32
    %dma_start3A_63 = arith.constant 256 : i32
    %dma_start3A_64 = arith.constant 0 : i32
    %dma_start3A_65 = tpu.memref_slice %arg7[%dma_start3A_63, %dma_start3A_64] : memref<512x64xf32, #tpu.memory_space<vmem>> -> memref<128x64xf32, #tpu.memory_space<vmem>>
    %dma_start3A_66 = arith.constant 0 : i32
    %dma_start3A_67 = tpu.memref_slice %arg5[%dma_start3A_62, %dma_start3A_66] : memref<200x128xi32, #tpu.memory_space<vmem>> -> memref<1x128xi32, #tpu.memory_space<vmem>>
    %dma_start3A_68 = tpu.memref_squeeze %dma_start3A_67 : memref<1x128xi32, #tpu.memory_space<vmem>> -> memref<128xi32, #tpu.memory_space<vmem>>
    %dma_start3A_69 = arith.constant 0 : i32
    %dma_start3A_70 = arith.constant 0 : i32
    %dma_start3A_71 = tpu.memref_slice %arg3[%dma_start3A_69, %dma_start3A_70] : memref<1000000x64xf32, #tpu.memory_space<hbm>> -> memref<1000000x64xf32, #tpu.memory_space<hbm>>
    tpu.enqueue_indirect_dma source(%dma_start3A_71 : memref<1000000x64xf32, #tpu.memory_space<hbm>>) target(%dma_start3A_65 : memref<128x64xf32, #tpu.memory_space<vmem>>) offsets(%dma_start3A_68 : memref<128xi32, #tpu.memory_space<vmem>>) semaphore(%arg9 : memref<!tpu.dma_semaphore, #tpu.memory_space<semaphore_mem>>)
    %dma_start3A_72 = arith.constant 7 : i32
    %dma_start3A_73 = arith.constant 384 : i32
    %dma_start3A_74 = arith.constant 0 : i32
    %dma_start3A_75 = tpu.memref_slice %arg7[%dma_start3A_73, %dma_start3A_74] : memref<512x64xf32, #tpu.memory_space<vmem>> -> memref<128x64xf32, #tpu.memory_space<vmem>>
    %dma_start3A_76 = arith.constant 0 : i32
    %dma_start3A_77 = tpu.memref_slice %arg5[%dma_start3A_72, %dma_start3A_76] : memref<200x128xi32, #tpu.memory_space<vmem>> -> memref<1x128xi32, #tpu.memory_space<vmem>>
    %dma_start3A_78 = tpu.memref_squeeze %dma_start3A_77 : memref<1x128xi32, #tpu.memory_space<vmem>> -> memref<128xi32, #tpu.memory_space<vmem>>
    %dma_start3A_79 = arith.constant 0 : i32
    %dma_start3A_80 = arith.constant 0 : i32
    %dma_start3A_81 = tpu.memref_slice %arg3[%dma_start3A_79, %dma_start3A_80] : memref<1000000x64xf32, #tpu.memory_space<hbm>> -> memref<1000000x64xf32, #tpu.memory_space<hbm>>
    tpu.enqueue_indirect_dma source(%dma_start3A_81 : memref<1000000x64xf32, #tpu.memory_space<hbm>>) target(%dma_start3A_75 : memref<128x64xf32, #tpu.memory_space<vmem>>) offsets(%dma_start3A_78 : memref<128xi32, #tpu.memory_space<vmem>>) semaphore(%arg9 : memref<!tpu.dma_semaphore, #tpu.memory_space<semaphore_mem>>)
    %scan3A = arith.constant 0 : i32
    %scan3A_82 = arith.constant 25 : i32
    %scan3A_83 = arith.addi %scan3A, %scan3A_82 : i32
    %scan3A_84 = arith.constant 1 : i32
    scf.for %scan3A_86 = %scan3A to %scan3A_83 step %scan3A_84  : i32 {
      %mul3A_87 = arith.constant 2 : i32
      %mul3A_88 = arith.muli %scan3A_86, %mul3A_87 : i32
      %add3A_89 = arith.constant 0 : i32
      %add3A_90 = arith.addi %add3A_89, %mul3A_88 : i32
      %add3A_91 = arith.constant 0 : i32
      %add3A_92 = arith.addi %add3A_90, %add3A_91 : i32
      %dma_wait3A = arith.constant 0 : i32
      %dma_wait3A_93 = arith.constant 0 : i32
      %dma_wait3A_94 = tpu.memref_slice %arg3[%dma_wait3A, %dma_wait3A_93] : memref<1000000x64xf32, #tpu.memory_space<hbm>> -> memref<512x64xf32, #tpu.memory_space<hbm>>
      %dma_wait3A_95 = arith.constant 0 : i32
      %dma_wait3A_96 = arith.constant 0 : i32
      %dma_wait3A_97 = tpu.memref_slice %arg3[%dma_wait3A_95, %dma_wait3A_96] : memref<1000000x64xf32, #tpu.memory_space<hbm>> -> memref<512x64xf32, #tpu.memory_space<hbm>>
      tpu.wait_dma2 semaphore(%arg8 : memref<!tpu.dma_semaphore, #tpu.memory_space<semaphore_mem>>) src(%dma_wait3A_97 : memref<512x64xf32, #tpu.memory_space<hbm>>) dst(%arg6 : memref<512x64xf32, #tpu.memory_space<vmem>>)
      %parallel_loop3A = arith.constant 0 : i32
      %parallel_loop3A_98 = arith.constant 512 : i32
      %parallel_loop3A_99 = arith.constant 1 : i32
      scf.for %parallel_loop3A_128 = %parallel_loop3A to %parallel_loop3A_98 step %parallel_loop3A_99  : i32 {
        %parallel_loop3A_129 = arith.index_cast %parallel_loop3A_128 : i32 to index
        %parallel_loop3A_130 = arith.constant 0 : index
        %parallel_loop3A_131 = tpu.vector_load %arg6[%parallel_loop3A_129, %parallel_loop3A_130] {strides = array<i32>} : memref<512x64xf32, #tpu.memory_space<vmem>>, vector<1x16xf32>,
        %parallel_loop3A_132 = vector.shape_cast %parallel_loop3A_131 : vector<1x16xf32> to vector<16xf32>
        %parallel_loop3A_133 = arith.constant 8.000000e+00 : f32
        %parallel_loop3A_134 = vector.broadcast %parallel_loop3A_133 : f32 to vector<16xf32>
        %parallel_loop3A_135 = arith.mulf %parallel_loop3A_132, %parallel_loop3A_134 : vector<16xf32>
        %parallel_loop3A_136 = arith.index_cast %parallel_loop3A_128 : i32 to index
        %parallel_loop3A_137 = arith.constant 0 : index
        %parallel_loop3A_138 = tpu.vector_load %arg6[%parallel_loop3A_136, %parallel_loop3A_137] {strides = array<i32>} : memref<512x64xf32, #tpu.memory_space<vmem>>, vector<1x16xf32>,
        %parallel_loop3A_139 = vector.shape_cast %parallel_loop3A_138 : vector<1x16xf32> to vector<16xf32>
        %parallel_loop3A_140 = vector.shape_cast %parallel_loop3A_135 : vector<16xf32> to vector<1x16xf32>
        tpu.vector_store %arg6[%parallel_loop3A_136, %parallel_loop3A_137], %parallel_loop3A_140 {strides = array<i32>} : memref<512x64xf32, #tpu.memory_space<vmem>>, vector<1x16xf32>,
        %parallel_loop3A_141 = arith.index_cast %parallel_loop3A_128 : i32 to index
        %parallel_loop3A_142 = arith.constant 16 : index
        %parallel_loop3A_143 = tpu.vector_load %arg6[%parallel_loop3A_141, %parallel_loop3A_142] {strides = array<i32>} : memref<512x64xf32, #tpu.memory_space<vmem>>, vector<1x16xf32>,
        %parallel_loop3A_144 = vector.shape_cast %parallel_loop3A_143 : vector<1x16xf32> to vector<16xf32>
        %parallel_loop3A_145 = arith.constant 8.000000e+00 : f32
        %parallel_loop3A_146 = vector.broadcast %parallel_loop3A_145 : f32 to vector<16xf32>
        %parallel_loop3A_147 = arith.mulf %parallel_loop3A_144, %parallel_loop3A_146 : vector<16xf32>
        %parallel_loop3A_148 = arith.index_cast %parallel_loop3A_128 : i32 to index
        %parallel_loop3A_149 = arith.constant 16 : index
        %parallel_loop3A_150 = tpu.vector_load %arg6[%parallel_loop3A_148, %parallel_loop3A_149] {strides = array<i32>} : memref<512x64xf32, #tpu.memory_space<vmem>>, vector<1x16xf32>,
        %parallel_loop3A_151 = vector.shape_cast %parallel_loop3A_150 : vector<1x16xf32> to vector<16xf32>
        %parallel_loop3A_152 = vector.shape_cast %parallel_loop3A_147 : vector<16xf32> to vector<1x16xf32>
        tpu.vector_store %arg6[%parallel_loop3A_148, %parallel_loop3A_149], %parallel_loop3A_152 {strides = array<i32>} : memref<512x64xf32, #tpu.memory_space<vmem>>, vector<1x16xf32>,
        %parallel_loop3A_153 = arith.index_cast %parallel_loop3A_128 : i32 to index
        %parallel_loop3A_154 = arith.constant 32 : index
        %parallel_loop3A_155 = tpu.vector_load %arg6[%parallel_loop3A_153, %parallel_loop3A_154] {strides = array<i32>} : memref<512x64xf32, #tpu.memory_space<vmem>>, vector<1x16xf32>,
        %parallel_loop3A_156 = vector.shape_cast %parallel_loop3A_155 : vector<1x16xf32> to vector<16xf32>
        %parallel_loop3A_157 = arith.constant 8.000000e+00 : f32
        %parallel_loop3A_158 = vector.broadcast %parallel_loop3A_157 : f32 to vector<16xf32>
        %parallel_loop3A_159 = arith.mulf %parallel_loop3A_156, %parallel_loop3A_158 : vector<16xf32>
        %parallel_loop3A_160 = arith.index_cast %parallel_loop3A_128 : i32 to index
        %parallel_loop3A_161 = arith.constant 32 : index
        %parallel_loop3A_162 = tpu.vector_load %arg6[%parallel_loop3A_160, %parallel_loop3A_161] {strides = array<i32>} : memref<512x64xf32, #tpu.memory_space<vmem>>, vector<1x16xf32>,
        %parallel_loop3A_163 = vector.shape_cast %parallel_loop3A_162 : vector<1x16xf32> to vector<16xf32>
        %parallel_loop3A_164 = vector.shape_cast %parallel_loop3A_159 : vector<16xf32> to vector<1x16xf32>
        tpu.vector_store %arg6[%parallel_loop3A_160, %parallel_loop3A_161], %parallel_loop3A_164 {strides = array<i32>} : memref<512x64xf32, #tpu.memory_space<vmem>>, vector<1x16xf32>,
        %parallel_loop3A_165 = arith.index_cast %parallel_loop3A_128 : i32 to index
        %parallel_loop3A_166 = arith.constant 48 : index
        %parallel_loop3A_167 = tpu.vector_load %arg6[%parallel_loop3A_165, %parallel_loop3A_166] {strides = array<i32>} : memref<512x64xf32, #tpu.memory_space<vmem>>, vector<1x16xf32>,
        %parallel_loop3A_168 = vector.shape_cast %parallel_loop3A_167 : vector<1x16xf32> to vector<16xf32>
        %parallel_loop3A_169 = arith.constant 8.000000e+00 : f32
        %parallel_loop3A_170 = vector.broadcast %parallel_loop3A_169 : f32 to vector<16xf32>
        %parallel_loop3A_171 = arith.mulf %parallel_loop3A_168, %parallel_loop3A_170 : vector<16xf32>
        %parallel_loop3A_172 = arith.index_cast %parallel_loop3A_128 : i32 to index
        %parallel_loop3A_173 = arith.constant 48 : index
        %parallel_loop3A_174 = tpu.vector_load %arg6[%parallel_loop3A_172, %parallel_loop3A_173] {strides = array<i32>} : memref<512x64xf32, #tpu.memory_space<vmem>>, vector<1x16xf32>,
        %parallel_loop3A_175 = vector.shape_cast %parallel_loop3A_174 : vector<1x16xf32> to vector<16xf32>
        %parallel_loop3A_176 = vector.shape_cast %parallel_loop3A_171 : vector<16xf32> to vector<1x16xf32>
        tpu.vector_store %arg6[%parallel_loop3A_172, %parallel_loop3A_173], %parallel_loop3A_176 {strides = array<i32>} : memref<512x64xf32, #tpu.memory_space<vmem>>, vector<1x16xf32>,
      } {sc.loop_unroll_factor = 8 : i64, sc.parallel_access}
      %mul3A_100 = arith.constant 512 : i32
      %mul3A_101 = arith.muli %add3A_92, %mul3A_100 : i32
      %add3A_102 = arith.addi %mul3A_2, %mul3A_101 : i32
      "tpu.region"() ({
        %run_scoped3A = tpu.sem_alloc : memref<!tpu.dma_semaphore, #tpu.memory_space<semaphore_mem>>
        %dma_start3A_128 = arith.constant 0 : i32
        %dma_start3A_129 = tpu.memref_slice %arg4[%add3A_102, %dma_start3A_128] : memref<819200x128xf32, #tpu.memory_space<hbm>> -> memref<512x64xf32, #tpu.memory_space<hbm>>
        %dma_start3A_130 = arith.constant 0 : i32
        %dma_start3A_131 = tpu.memref_slice %arg4[%add3A_102, %dma_start3A_130] : memref<819200x128xf32, #tpu.memory_space<hbm>> -> memref<512x64xf32, #tpu.memory_space<hbm>>
        tpu.enqueue_dma source(%arg6 : memref<512x64xf32, #tpu.memory_space<vmem>>) target(%dma_start3A_131 : memref<512x64xf32, #tpu.memory_space<hbm>>) target_semaphore(%run_scoped3A : memref<!tpu.dma_semaphore, #tpu.memory_space<semaphore_mem>>)
        %dma_wait3A_132 = arith.constant 0 : i32
        %dma_wait3A_133 = tpu.memref_slice %arg4[%add3A_102, %dma_wait3A_132] : memref<819200x128xf32, #tpu.memory_space<hbm>> -> memref<512x64xf32, #tpu.memory_space<hbm>>
        %dma_wait3A_134 = arith.constant 0 : i32
        %dma_wait3A_135 = tpu.memref_slice %arg4[%add3A_102, %dma_wait3A_134] : memref<819200x128xf32, #tpu.memory_space<hbm>> -> memref<512x64xf32, #tpu.memory_space<hbm>>
        tpu.wait_dma2 semaphore(%run_scoped3A : memref<!tpu.dma_semaphore, #tpu.memory_space<semaphore_mem>>) src(%arg6 : memref<512x64xf32, #tpu.memory_space<vmem>>) dst(%dma_wait3A_135 : memref<512x64xf32, #tpu.memory_space<hbm>>)
        tpu.yield
      }) : () -> ()
      %add3A_103 = arith.constant 2 : i32
      %add3A_104 = arith.addi %add3A_92, %add3A_103 : i32
      %lt3A = arith.constant 50 : i32
      %lt3A_105 = arith.cmpi slt, %add3A_104, %lt3A : i32
      %convert_element_type3A = arith.extui %lt3A_105 : i1 to i32
      %cond3A = arith.constant 0 : i32
      %cond3A_106 = arith.cmpi ne, %convert_element_type3A, %cond3A : i32
      scf.if %cond3A_106 {
        %add3A_128 = arith.constant 2 : i32
        %add3A_129 = arith.addi %add3A_92, %add3A_128 : i32
        %mul3A_130 = arith.constant 4 : i32
        %mul3A_131 = arith.muli %add3A_129, %mul3A_130 : i32
        %add3A_132 = arith.constant 0 : i32
        %add3A_133 = arith.addi %mul3A_131, %add3A_132 : i32
        %dma_start3A_134 = arith.constant 0 : i32
        %dma_start3A_135 = arith.constant 0 : i32
        %dma_start3A_136 = tpu.memref_slice %arg6[%dma_start3A_134, %dma_start3A_135] : memref<512x64xf32, #tpu.memory_space<vmem>> -> memref<128x64xf32, #tpu.memory_space<vmem>>
        %dma_start3A_137 = arith.constant 0 : i32
        %dma_start3A_138 = tpu.memref_slice %arg5[%add3A_133, %dma_start3A_137] : memref<200x128xi32, #tpu.memory_space<vmem>> -> memref<1x128xi32, #tpu.memory_space<vmem>>
        %dma_start3A_139 = tpu.memref_squeeze %dma_start3A_138 : memref<1x128xi32, #tpu.memory_space<vmem>> -> memref<128xi32, #tpu.memory_space<vmem>>
        %dma_start3A_140 = arith.constant 0 : i32
        %dma_start3A_141 = arith.constant 0 : i32
        %dma_start3A_142 = tpu.memref_slice %arg3[%dma_start3A_140, %dma_start3A_141] : memref<1000000x64xf32, #tpu.memory_space<hbm>> -> memref<1000000x64xf32, #tpu.memory_space<hbm>>
        tpu.enqueue_indirect_dma source(%dma_start3A_142 : memref<1000000x64xf32, #tpu.memory_space<hbm>>) target(%dma_start3A_136 : memref<128x64xf32, #tpu.memory_space<vmem>>) offsets(%dma_start3A_139 : memref<128xi32, #tpu.memory_space<vmem>>) semaphore(%arg8 : memref<!tpu.dma_semaphore, #tpu.memory_space<semaphore_mem>>)
        %mul3A_143 = arith.constant 4 : i32
        %mul3A_144 = arith.muli %add3A_129, %mul3A_143 : i32
        %add3A_145 = arith.constant 1 : i32
        %add3A_146 = arith.addi %mul3A_144, %add3A_145 : i32
        %dma_start3A_147 = arith.constant 128 : i32
        %dma_start3A_148 = arith.constant 0 : i32
        %dma_start3A_149 = tpu.memref_slice %arg6[%dma_start3A_147, %dma_start3A_148] : memref<512x64xf32, #tpu.memory_space<vmem>> -> memref<128x64xf32, #tpu.memory_space<vmem>>
        %dma_start3A_150 = arith.constant 0 : i32
        %dma_start3A_151 = tpu.memref_slice %arg5[%add3A_146, %dma_start3A_150] : memref<200x128xi32, #tpu.memory_space<vmem>> -> memref<1x128xi32, #tpu.memory_space<vmem>>
        %dma_start3A_152 = tpu.memref_squeeze %dma_start3A_151 : memref<1x128xi32, #tpu.memory_space<vmem>> -> memref<128xi32, #tpu.memory_space<vmem>>
        %dma_start3A_153 = arith.constant 0 : i32
        %dma_start3A_154 = arith.constant 0 : i32
        %dma_start3A_155 = tpu.memref_slice %arg3[%dma_start3A_153, %dma_start3A_154] : memref<1000000x64xf32, #tpu.memory_space<hbm>> -> memref<1000000x64xf32, #tpu.memory_space<hbm>>
        tpu.enqueue_indirect_dma source(%dma_start3A_155 : memref<1000000x64xf32, #tpu.memory_space<hbm>>) target(%dma_start3A_149 : memref<128x64xf32, #tpu.memory_space<vmem>>) offsets(%dma_start3A_152 : memref<128xi32, #tpu.memory_space<vmem>>) semaphore(%arg8 : memref<!tpu.dma_semaphore, #tpu.memory_space<semaphore_mem>>)
        %mul3A_156 = arith.constant 4 : i32
        %mul3A_157 = arith.muli %add3A_129, %mul3A_156 : i32
        %add3A_158 = arith.constant 2 : i32
        %add3A_159 = arith.addi %mul3A_157, %add3A_158 : i32
        %dma_start3A_160 = arith.constant 256 : i32
        %dma_start3A_161 = arith.constant 0 : i32
        %dma_start3A_162 = tpu.memref_slice %arg6[%dma_start3A_160, %dma_start3A_161] : memref<512x64xf32, #tpu.memory_space<vmem>> -> memref<128x64xf32, #tpu.memory_space<vmem>>
        %dma_start3A_163 = arith.constant 0 : i32
        %dma_start3A_164 = tpu.memref_slice %arg5[%add3A_159, %dma_start3A_163] : memref<200x128xi32, #tpu.memory_space<vmem>> -> memref<1x128xi32, #tpu.memory_space<vmem>>
        %dma_start3A_165 = tpu.memref_squeeze %dma_start3A_164 : memref<1x128xi32, #tpu.memory_space<vmem>> -> memref<128xi32, #tpu.memory_space<vmem>>
        %dma_start3A_166 = arith.constant 0 : i32
        %dma_start3A_167 = arith.constant 0 : i32
        %dma_start3A_168 = tpu.memref_slice %arg3[%dma_start3A_166, %dma_start3A_167] : memref<1000000x64xf32, #tpu.memory_space<hbm>> -> memref<1000000x64xf32, #tpu.memory_space<hbm>>
        tpu.enqueue_indirect_dma source(%dma_start3A_168 : memref<1000000x64xf32, #tpu.memory_space<hbm>>) target(%dma_start3A_162 : memref<128x64xf32, #tpu.memory_space<vmem>>) offsets(%dma_start3A_165 : memref<128xi32, #tpu.memory_space<vmem>>) semaphore(%arg8 : memref<!tpu.dma_semaphore, #tpu.memory_space<semaphore_mem>>)
        %mul3A_169 = arith.constant 4 : i32
        %mul3A_170 = arith.muli %add3A_129, %mul3A_169 : i32
        %add3A_171 = arith.constant 3 : i32
        %add3A_172 = arith.addi %mul3A_170, %add3A_171 : i32
        %dma_start3A_173 = arith.constant 384 : i32
        %dma_start3A_174 = arith.constant 0 : i32
        %dma_start3A_175 = tpu.memref_slice %arg6[%dma_start3A_173, %dma_start3A_174] : memref<512x64xf32, #tpu.memory_space<vmem>> -> memref<128x64xf32, #tpu.memory_space<vmem>>
        %dma_start3A_176 = arith.constant 0 : i32
        %dma_start3A_177 = tpu.memref_slice %arg5[%add3A_172, %dma_start3A_176] : memref<200x128xi32, #tpu.memory_space<vmem>> -> memref<1x128xi32, #tpu.memory_space<vmem>>
        %dma_start3A_178 = tpu.memref_squeeze %dma_start3A_177 : memref<1x128xi32, #tpu.memory_space<vmem>> -> memref<128xi32, #tpu.memory_space<vmem>>
        %dma_start3A_179 = arith.constant 0 : i32
        %dma_start3A_180 = arith.constant 0 : i32
        %dma_start3A_181 = tpu.memref_slice %arg3[%dma_start3A_179, %dma_start3A_180] : memref<1000000x64xf32, #tpu.memory_space<hbm>> -> memref<1000000x64xf32, #tpu.memory_space<hbm>>
        tpu.enqueue_indirect_dma source(%dma_start3A_181 : memref<1000000x64xf32, #tpu.memory_space<hbm>>) target(%dma_start3A_175 : memref<128x64xf32, #tpu.memory_space<vmem>>) offsets(%dma_start3A_178 : memref<128xi32, #tpu.memory_space<vmem>>) semaphore(%arg8 : memref<!tpu.dma_semaphore, #tpu.memory_space<semaphore_mem>>)
      } else {
      }
      %add3A_107 = arith.constant 1 : i32
      %add3A_108 = arith.addi %add3A_90, %add3A_107 : i32
      %dma_wait3A_109 = arith.constant 0 : i32
      %dma_wait3A_110 = arith.constant 0 : i32
      %dma_wait3A_111 = tpu.memref_slice %arg3[%dma_wait3A_109, %dma_wait3A_110] : memref<1000000x64xf32, #tpu.memory_space<hbm>> -> memref<512x64xf32, #tpu.memory_space<hbm>>
      %dma_wait3A_112 = arith.constant 0 : i32
      %dma_wait3A_113 = arith.constant 0 : i32
      %dma_wait3A_114 = tpu.memref_slice %arg3[%dma_wait3A_112, %dma_wait3A_113] : memref<1000000x64xf32, #tpu.memory_space<hbm>> -> memref<512x64xf32, #tpu.memory_space<hbm>>
      tpu.wait_dma2 semaphore(%arg9 : memref<!tpu.dma_semaphore, #tpu.memory_space<semaphore_mem>>) src(%dma_wait3A_114 : memref<512x64xf32, #tpu.memory_space<hbm>>) dst(%arg7 : memref<512x64xf32, #tpu.memory_space<vmem>>)
      %parallel_loop3A_115 = arith.constant 0 : i32
      %parallel_loop3A_116 = arith.constant 512 : i32
      %parallel_loop3A_117 = arith.constant 1 : i32
      scf.for %parallel_loop3A_128 = %parallel_loop3A_115 to %parallel_loop3A_116 step %parallel_loop3A_117  : i32 {
        %parallel_loop3A_129 = arith.index_cast %parallel_loop3A_128 : i32 to index
        %parallel_loop3A_130 = arith.constant 0 : index
        %parallel_loop3A_131 = tpu.vector_load %arg7[%parallel_loop3A_129, %parallel_loop3A_130] {strides = array<i32>} : memref<512x64xf32, #tpu.memory_space<vmem>>, vector<1x16xf32>,
        %parallel_loop3A_132 = vector.shape_cast %parallel_loop3A_131 : vector<1x16xf32> to vector<16xf32>
        %parallel_loop3A_133 = arith.constant 8.000000e+00 : f32
        %parallel_loop3A_134 = vector.broadcast %parallel_loop3A_133 : f32 to vector<16xf32>
        %parallel_loop3A_135 = arith.mulf %parallel_loop3A_132, %parallel_loop3A_134 : vector<16xf32>
        %parallel_loop3A_136 = arith.index_cast %parallel_loop3A_128 : i32 to index
        %parallel_loop3A_137 = arith.constant 0 : index
        %parallel_loop3A_138 = tpu.vector_load %arg7[%parallel_loop3A_136, %parallel_loop3A_137] {strides = array<i32>} : memref<512x64xf32, #tpu.memory_space<vmem>>, vector<1x16xf32>,
        %parallel_loop3A_139 = vector.shape_cast %parallel_loop3A_138 : vector<1x16xf32> to vector<16xf32>
        %parallel_loop3A_140 = vector.shape_cast %parallel_loop3A_135 : vector<16xf32> to vector<1x16xf32>
        tpu.vector_store %arg7[%parallel_loop3A_136, %parallel_loop3A_137], %parallel_loop3A_140 {strides = array<i32>} : memref<512x64xf32, #tpu.memory_space<vmem>>, vector<1x16xf32>,
        %parallel_loop3A_141 = arith.index_cast %parallel_loop3A_128 : i32 to index
        %parallel_loop3A_142 = arith.constant 16 : index
        %parallel_loop3A_143 = tpu.vector_load %arg7[%parallel_loop3A_141, %parallel_loop3A_142] {strides = array<i32>} : memref<512x64xf32, #tpu.memory_space<vmem>>, vector<1x16xf32>,
        %parallel_loop3A_144 = vector.shape_cast %parallel_loop3A_143 : vector<1x16xf32> to vector<16xf32>
        %parallel_loop3A_145 = arith.constant 8.000000e+00 : f32
        %parallel_loop3A_146 = vector.broadcast %parallel_loop3A_145 : f32 to vector<16xf32>
        %parallel_loop3A_147 = arith.mulf %parallel_loop3A_144, %parallel_loop3A_146 : vector<16xf32>
        %parallel_loop3A_148 = arith.index_cast %parallel_loop3A_128 : i32 to index
        %parallel_loop3A_149 = arith.constant 16 : index
        %parallel_loop3A_150 = tpu.vector_load %arg7[%parallel_loop3A_148, %parallel_loop3A_149] {strides = array<i32>} : memref<512x64xf32, #tpu.memory_space<vmem>>, vector<1x16xf32>,
        %parallel_loop3A_151 = vector.shape_cast %parallel_loop3A_150 : vector<1x16xf32> to vector<16xf32>
        %parallel_loop3A_152 = vector.shape_cast %parallel_loop3A_147 : vector<16xf32> to vector<1x16xf32>
        tpu.vector_store %arg7[%parallel_loop3A_148, %parallel_loop3A_149], %parallel_loop3A_152 {strides = array<i32>} : memref<512x64xf32, #tpu.memory_space<vmem>>, vector<1x16xf32>,
        %parallel_loop3A_153 = arith.index_cast %parallel_loop3A_128 : i32 to index
        %parallel_loop3A_154 = arith.constant 32 : index
        %parallel_loop3A_155 = tpu.vector_load %arg7[%parallel_loop3A_153, %parallel_loop3A_154] {strides = array<i32>} : memref<512x64xf32, #tpu.memory_space<vmem>>, vector<1x16xf32>,
        %parallel_loop3A_156 = vector.shape_cast %parallel_loop3A_155 : vector<1x16xf32> to vector<16xf32>
        %parallel_loop3A_157 = arith.constant 8.000000e+00 : f32
        %parallel_loop3A_158 = vector.broadcast %parallel_loop3A_157 : f32 to vector<16xf32>
        %parallel_loop3A_159 = arith.mulf %parallel_loop3A_156, %parallel_loop3A_158 : vector<16xf32>
        %parallel_loop3A_160 = arith.index_cast %parallel_loop3A_128 : i32 to index
        %parallel_loop3A_161 = arith.constant 32 : index
        %parallel_loop3A_162 = tpu.vector_load %arg7[%parallel_loop3A_160, %parallel_loop3A_161] {strides = array<i32>} : memref<512x64xf32, #tpu.memory_space<vmem>>, vector<1x16xf32>,
        %parallel_loop3A_163 = vector.shape_cast %parallel_loop3A_162 : vector<1x16xf32> to vector<16xf32>
        %parallel_loop3A_164 = vector.shape_cast %parallel_loop3A_159 : vector<16xf32> to vector<1x16xf32>
        tpu.vector_store %arg7[%parallel_loop3A_160, %parallel_loop3A_161], %parallel_loop3A_164 {strides = array<i32>} : memref<512x64xf32, #tpu.memory_space<vmem>>, vector<1x16xf32>,
        %parallel_loop3A_165 = arith.index_cast %parallel_loop3A_128 : i32 to index
        %parallel_loop3A_166 = arith.constant 48 : index
        %parallel_loop3A_167 = tpu.vector_load %arg7[%parallel_loop3A_165, %parallel_loop3A_166] {strides = array<i32>} : memref<512x64xf32, #tpu.memory_space<vmem>>, vector<1x16xf32>,
        %parallel_loop3A_168 = vector.shape_cast %parallel_loop3A_167 : vector<1x16xf32> to vector<16xf32>
        %parallel_loop3A_169 = arith.constant 8.000000e+00 : f32
        %parallel_loop3A_170 = vector.broadcast %parallel_loop3A_169 : f32 to vector<16xf32>
        %parallel_loop3A_171 = arith.mulf %parallel_loop3A_168, %parallel_loop3A_170 : vector<16xf32>
        %parallel_loop3A_172 = arith.index_cast %parallel_loop3A_128 : i32 to index
        %parallel_loop3A_173 = arith.constant 48 : index
        %parallel_loop3A_174 = tpu.vector_load %arg7[%parallel_loop3A_172, %parallel_loop3A_173] {strides = array<i32>} : memref<512x64xf32, #tpu.memory_space<vmem>>, vector<1x16xf32>,
        %parallel_loop3A_175 = vector.shape_cast %parallel_loop3A_174 : vector<1x16xf32> to vector<16xf32>
        %parallel_loop3A_176 = vector.shape_cast %parallel_loop3A_171 : vector<16xf32> to vector<1x16xf32>
        tpu.vector_store %arg7[%parallel_loop3A_172, %parallel_loop3A_173], %parallel_loop3A_176 {strides = array<i32>} : memref<512x64xf32, #tpu.memory_space<vmem>>, vector<1x16xf32>,
      } {sc.loop_unroll_factor = 8 : i64, sc.parallel_access}
      %mul3A_118 = arith.constant 512 : i32
      %mul3A_119 = arith.muli %add3A_108, %mul3A_118 : i32
      %add3A_120 = arith.addi %mul3A_2, %mul3A_119 : i32
      "tpu.region"() ({
        %run_scoped3A = tpu.sem_alloc : memref<!tpu.dma_semaphore, #tpu.memory_space<semaphore_mem>>
        %dma_start3A_128 = arith.constant 0 : i32
        %dma_start3A_129 = tpu.memref_slice %arg4[%add3A_120, %dma_start3A_128] : memref<819200x128xf32, #tpu.memory_space<hbm>> -> memref<512x64xf32, #tpu.memory_space<hbm>>
        %dma_start3A_130 = arith.constant 0 : i32
        %dma_start3A_131 = tpu.memref_slice %arg4[%add3A_120, %dma_start3A_130] : memref<819200x128xf32, #tpu.memory_space<hbm>> -> memref<512x64xf32, #tpu.memory_space<hbm>>
        tpu.enqueue_dma source(%arg7 : memref<512x64xf32, #tpu.memory_space<vmem>>) target(%dma_start3A_131 : memref<512x64xf32, #tpu.memory_space<hbm>>) target_semaphore(%run_scoped3A : memref<!tpu.dma_semaphore, #tpu.memory_space<semaphore_mem>>)
        %dma_wait3A_132 = arith.constant 0 : i32
        %dma_wait3A_133 = tpu.memref_slice %arg4[%add3A_120, %dma_wait3A_132] : memref<819200x128xf32, #tpu.memory_space<hbm>> -> memref<512x64xf32, #tpu.memory_space<hbm>>
        %dma_wait3A_134 = arith.constant 0 : i32
        %dma_wait3A_135 = tpu.memref_slice %arg4[%add3A_120, %dma_wait3A_134] : memref<819200x128xf32, #tpu.memory_space<hbm>> -> memref<512x64xf32, #tpu.memory_space<hbm>>
        tpu.wait_dma2 semaphore(%run_scoped3A : memref<!tpu.dma_semaphore, #tpu.memory_space<semaphore_mem>>) src(%arg7 : memref<512x64xf32, #tpu.memory_space<vmem>>) dst(%dma_wait3A_135 : memref<512x64xf32, #tpu.memory_space<hbm>>)
        tpu.yield
      }) : () -> ()
      %add3A_121 = arith.constant 2 : i32
      %add3A_122 = arith.addi %add3A_108, %add3A_121 : i32
      %lt3A_123 = arith.constant 50 : i32
      %lt3A_124 = arith.cmpi slt, %add3A_122, %lt3A_123 : i32
      %convert_element_type3A_125 = arith.extui %lt3A_124 : i1 to i32
      %cond3A_126 = arith.constant 0 : i32
      %cond3A_127 = arith.cmpi ne, %convert_element_type3A_125, %cond3A_126 : i32
      scf.if %cond3A_127 {
        %add3A_128 = arith.constant 2 : i32
        %add3A_129 = arith.addi %add3A_108, %add3A_128 : i32
        %mul3A_130 = arith.constant 4 : i32
        %mul3A_131 = arith.muli %add3A_129, %mul3A_130 : i32
        %add3A_132 = arith.constant 0 : i32
        %add3A_133 = arith.addi %mul3A_131, %add3A_132 : i32
        %dma_start3A_134 = arith.constant 0 : i32
        %dma_start3A_135 = arith.constant 0 : i32
        %dma_start3A_136 = tpu.memref_slice %arg7[%dma_start3A_134, %dma_start3A_135] : memref<512x64xf32, #tpu.memory_space<vmem>> -> memref<128x64xf32, #tpu.memory_space<vmem>>
        %dma_start3A_137 = arith.constant 0 : i32
        %dma_start3A_138 = tpu.memref_slice %arg5[%add3A_133, %dma_start3A_137] : memref<200x128xi32, #tpu.memory_space<vmem>> -> memref<1x128xi32, #tpu.memory_space<vmem>>
        %dma_start3A_139 = tpu.memref_squeeze %dma_start3A_138 : memref<1x128xi32, #tpu.memory_space<vmem>> -> memref<128xi32, #tpu.memory_space<vmem>>
        %dma_start3A_140 = arith.constant 0 : i32
        %dma_start3A_141 = arith.constant 0 : i32
        %dma_start3A_142 = tpu.memref_slice %arg3[%dma_start3A_140, %dma_start3A_141] : memref<1000000x64xf32, #tpu.memory_space<hbm>> -> memref<1000000x64xf32, #tpu.memory_space<hbm>>
        tpu.enqueue_indirect_dma source(%dma_start3A_142 : memref<1000000x64xf32, #tpu.memory_space<hbm>>) target(%dma_start3A_136 : memref<128x64xf32, #tpu.memory_space<vmem>>) offsets(%dma_start3A_139 : memref<128xi32, #tpu.memory_space<vmem>>) semaphore(%arg9 : memref<!tpu.dma_semaphore, #tpu.memory_space<semaphore_mem>>)
        %mul3A_143 = arith.constant 4 : i32
        %mul3A_144 = arith.muli %add3A_129, %mul3A_143 : i32
        %add3A_145 = arith.constant 1 : i32
        %add3A_146 = arith.addi %mul3A_144, %add3A_145 : i32
        %dma_start3A_147 = arith.constant 128 : i32
        %dma_start3A_148 = arith.constant 0 : i32
        %dma_start3A_149 = tpu.memref_slice %arg7[%dma_start3A_147, %dma_start3A_148] : memref<512x64xf32, #tpu.memory_space<vmem>> -> memref<128x64xf32, #tpu.memory_space<vmem>>
        %dma_start3A_150 = arith.constant 0 : i32
        %dma_start3A_151 = tpu.memref_slice %arg5[%add3A_146, %dma_start3A_150] : memref<200x128xi32, #tpu.memory_space<vmem>> -> memref<1x128xi32, #tpu.memory_space<vmem>>
        %dma_start3A_152 = tpu.memref_squeeze %dma_start3A_151 : memref<1x128xi32, #tpu.memory_space<vmem>> -> memref<128xi32, #tpu.memory_space<vmem>>
        %dma_start3A_153 = arith.constant 0 : i32
        %dma_start3A_154 = arith.constant 0 : i32
        %dma_start3A_155 = tpu.memref_slice %arg3[%dma_start3A_153, %dma_start3A_154] : memref<1000000x64xf32, #tpu.memory_space<hbm>> -> memref<1000000x64xf32, #tpu.memory_space<hbm>>
        tpu.enqueue_indirect_dma source(%dma_start3A_155 : memref<1000000x64xf32, #tpu.memory_space<hbm>>) target(%dma_start3A_149 : memref<128x64xf32, #tpu.memory_space<vmem>>) offsets(%dma_start3A_152 : memref<128xi32, #tpu.memory_space<vmem>>) semaphore(%arg9 : memref<!tpu.dma_semaphore, #tpu.memory_space<semaphore_mem>>)
        %mul3A_156 = arith.constant 4 : i32
        %mul3A_157 = arith.muli %add3A_129, %mul3A_156 : i32
        %add3A_158 = arith.constant 2 : i32
        %add3A_159 = arith.addi %mul3A_157, %add3A_158 : i32
        %dma_start3A_160 = arith.constant 256 : i32
        %dma_start3A_161 = arith.constant 0 : i32
        %dma_start3A_162 = tpu.memref_slice %arg7[%dma_start3A_160, %dma_start3A_161] : memref<512x64xf32, #tpu.memory_space<vmem>> -> memref<128x64xf32, #tpu.memory_space<vmem>>
        %dma_start3A_163 = arith.constant 0 : i32
        %dma_start3A_164 = tpu.memref_slice %arg5[%add3A_159, %dma_start3A_163] : memref<200x128xi32, #tpu.memory_space<vmem>> -> memref<1x128xi32, #tpu.memory_space<vmem>>
        %dma_start3A_165 = tpu.memref_squeeze %dma_start3A_164 : memref<1x128xi32, #tpu.memory_space<vmem>> -> memref<128xi32, #tpu.memory_space<vmem>>
        %dma_start3A_166 = arith.constant 0 : i32
        %dma_start3A_167 = arith.constant 0 : i32
        %dma_start3A_168 = tpu.memref_slice %arg3[%dma_start3A_166, %dma_start3A_167] : memref<1000000x64xf32, #tpu.memory_space<hbm>> -> memref<1000000x64xf32, #tpu.memory_space<hbm>>
        tpu.enqueue_indirect_dma source(%dma_start3A_168 : memref<1000000x64xf32, #tpu.memory_space<hbm>>) target(%dma_start3A_162 : memref<128x64xf32, #tpu.memory_space<vmem>>) offsets(%dma_start3A_165 : memref<128xi32, #tpu.memory_space<vmem>>) semaphore(%arg9 : memref<!tpu.dma_semaphore, #tpu.memory_space<semaphore_mem>>)
        %mul3A_169 = arith.constant 4 : i32
        %mul3A_170 = arith.muli %add3A_129, %mul3A_169 : i32
        %add3A_171 = arith.constant 3 : i32
        %add3A_172 = arith.addi %mul3A_170, %add3A_171 : i32
        %dma_start3A_173 = arith.constant 384 : i32
        %dma_start3A_174 = arith.constant 0 : i32
        %dma_start3A_175 = tpu.memref_slice %arg7[%dma_start3A_173, %dma_start3A_174] : memref<512x64xf32, #tpu.memory_space<vmem>> -> memref<128x64xf32, #tpu.memory_space<vmem>>
        %dma_start3A_176 = arith.constant 0 : i32
        %dma_start3A_177 = tpu.memref_slice %arg5[%add3A_172, %dma_start3A_176] : memref<200x128xi32, #tpu.memory_space<vmem>> -> memref<1x128xi32, #tpu.memory_space<vmem>>
        %dma_start3A_178 = tpu.memref_squeeze %dma_start3A_177 : memref<1x128xi32, #tpu.memory_space<vmem>> -> memref<128xi32, #tpu.memory_space<vmem>>
        %dma_start3A_179 = arith.constant 0 : i32
        %dma_start3A_180 = arith.constant 0 : i32
        %dma_start3A_181 = tpu.memref_slice %arg3[%dma_start3A_179, %dma_start3A_180] : memref<1000000x64xf32, #tpu.memory_space<hbm>> -> memref<1000000x64xf32, #tpu.memory_space<hbm>>
        tpu.enqueue_indirect_dma source(%dma_start3A_181 : memref<1000000x64xf32, #tpu.memory_space<hbm>>) target(%dma_start3A_175 : memref<128x64xf32, #tpu.memory_space<vmem>>) offsets(%dma_start3A_178 : memref<128xi32, #tpu.memory_space<vmem>>) semaphore(%arg9 : memref<!tpu.dma_semaphore, #tpu.memory_space<semaphore_mem>>)
      } else {
      }
    }
    %scan3A_85 = arith.constant 25 : i32
    return
  }
}

</mosaic_0001>

<sc_bundles>
// kernel: kernel.3.cloned.1.call-start
scs
__scs_entry_jumppad:
0x0: {  	(pc) =	sbr.rel $0x88, $3  }
0x1: {  	(tag) =	ssettag $0x0;
	lr =	simm.s32 $0x1  }
0x2: {  	[smem:$0x3F9F] =	sst lr;
	_ =	strace $0xD0000000  }
0x3: {  	_ = 	snop  }
0x4: {  	_ = 	snop  }
0x5: {  	_ = 	snop  }
0x6: {  	_ = 	snop  }
0x7: {  	_ = 	snop  }
__scs_overlays_trampoline_lowered:
0x8: {  	[smem:$0x3FAE] =	sst s0  }
0x9: {  	[smem:$0x3FAF] =	sst s1  }
0xa: {  	[smem:$0x3FB0] =	sst s2  }
0xb: {  	[smem:$0x3FB1] =	sst s3  }
0xc: {  	[smem:$0x3FB2] =	sst s4  }
0xd: {  	[smem:$0x3FB3] =	sst s5  }
0xe: {  	[smem:$0x3FB4] =	sst s6  }
0xf: {  	[smem:$0x3FB5] =	sst s7  }
0x10: {  	[smem:$0x3FB6] =	sst s8  }
0x11: {  	[smem:$0x3FB7] =	sst s9;
	s0 =	simm.s32 @!p0 $0x0  }
0x12: {  	s1 =	sld [smem:$0x3F9D];
	s0 =	simm.s32 @p0 $0x1  }
0x13: {  	[smem:$0x3FB8] =	sst s0;
	s0 =	simm.s32 @!p1 $0x0  }
0x14: {  	s2 =	sld [smem:$0x3F9C];
	s0 =	simm.s32 @p1 $0x1  }
0x15: {  	[smem:$0x3FB9] =	sst s0;
	s0 =	simm.s32 @!p2 $0x0  }
0x16: {  	s3 =	sld [smem:$0x3FDB];
	s0 =	simm.s32 @p2 $0x1  }
0x17: {  	s4 =	simm.s32 $0x1BF5;
	[smem:$0x3FBB] =	sst s0  }
0x18: {  	s0 =	sld [smem:$0x3F9E];
	_ =	swait.ge [sflag:s4], $0x0  }
0x19: {  	s7 =	sld [smem:$0x3F9F]  }
0x1a: {  	s8 =	sadd.s32 $0xFFFFE003, lr  }
0x1b: {  	s9 =	sadd.s32 $0xFFFFFEF7, lr;
	s5 =	simm.s32 $0xFFFFFFFF;
	p2 =	slt.u32 s8, $0xFFFFF086  }
0x1c: {  	p1 =	slt.u32 s9, $0xF7A;
	s5 =	simm.s32 @!p2 $0x0  }
0x1d: {  	s5 =	simm.s32 @p1 $0x1;
	p0 =	seq.s32 s7, s2  }
0x1e: {  	s7 =	smul.u32 @!p0 $0xF7A, s2;
	p2 =	seq.s32 @!p0 s5, $0x0  }
0x1f: {  	s9 =	smul.u32 $0xF7A, s1;
	s8 =	simm.s32 @!p0 $0x1BF5;
	p2 =	por !p2, p0  }
0x20: {  	[sflag:s8] =	ssyncset.s32 @!p0 $0xFFFFF086;
	s6 =	sadd.s32 @!p0 s3, s7;
	s7 =	simm.s32 @!p0 $0x108  }
0x21: {  	s3 =	sadd.s32 s3, s9;
	s6 =	sadd.s32 @!p0 $0x88, s6;
	s7 =	simm.s32 @p2 $0x1082  }
0x22: {  	[simem:s7], [sflag:s8] =	dma.local @!p0 [hbm:s6], $0xF7A  }
0x23: {  	s9 =	sor.u32 $0xD0000000, s2;
	s6 =	simm.s32 $0x108;
	_ =	swait.ge @!p0 [sflag:s8], $0x0  }
0x24: {  	s3 =	sadd.s32 $0x88, s3;
	s6 =	simm.s32 @!p1 $0x1082;
	[sflag:s4] =	ssyncset.s32 $0xFFFFF086  }
0x25: {  	[simem:s6], [sflag:s4] =	dma.local [hbm:s3], $0xF7A  }
0x26: {  	[smem:$0x3F9F] =	sst s1;
	(tag) =	ssettag s2;
	_ =	strace s9  }
0x27: {  	s1 =	sld [smem:$0x3FAF]  }
0x28: {  	s2 =	sld [smem:$0x3FB0]  }
0x29: {  	s4 =	sld [smem:$0x3FB2]  }
0x2a: {  	p0 =	seq.s32 s5, $0x0;
	s5 =	sld [smem:$0x3FB3]  }
0x2b: {  	s6 =	sld [smem:$0x3FB4]  }
0x2c: {  	s7 =	sld [smem:$0x3FB5]  }
0x2d: {  	s3 =	simm.s32 $0x108;
	s8 =	sld [smem:$0x3FB6]  }
0x2e: {  	s3 =	simm.s32 @!p0 $0x1082;
	s9 =	sld [smem:$0x3FB7]  }
0x2f: {  	lr =	sadd.s32 s0, s3;
	s0 =	sld [smem:$0x3FAE]  }
0x30: {  	s3 =	sld [smem:$0x3FB1]  }
0x31: {  	[smem:$0x3FBA] =	sst s10  }
0x32: {  	s10 =	sld [smem:$0x3FB8];
	_ =	sdelay $0x3  }
0x33: {  	p0 =	seq.s32 s10, $0x1;
	s10 =	sld [smem:$0x3FBA];
	_ =	sdelay $0x3  }
0x34: {  	[smem:$0x3FBA] =	sst s10  }
0x35: {  	s10 =	sld [smem:$0x3FB9];
	_ =	sdelay $0x3  }
0x36: {  	p1 =	seq.s32 s10, $0x1;
	s10 =	sld [smem:$0x3FBA];
	_ =	sdelay $0x3  }
0x37: {  	[smem:$0x3FBA] =	sst s10  }
0x38: {  	s10 =	sld [smem:$0x3FBB]  }
0x39: {  	_ = 	snop;
	(pc) =	sbr.ind lr, $3  }
0x3a: {  	_ = 	snop  }
0x3b: {  	_ = 	snop  }
0x3c: {  	p2 =	seq.s32 s10, $0x1;
	s10 =	sld [smem:$0x3FBA]  }
0x3d: {  	_ =	shalt  }
0x3e: {  	_ =	shalt  }
0x3f: {  	_ =	shalt  }
0x40: {  	_ =	shalt  }
0x41: {  	_ =	shalt  }
0x42: {  	_ =	shalt  }
0x43: {  	_ =	shalt  }
0x44: {  	_ =	shalt  }
0x45: {  	_ =	shalt  }
0x46: {  	_ =	shalt  }
0x47: {  	_ =	shalt  }
0x48: {  	_ =	shalt  }
0x49: {  	_ =	shalt  }
0x4a: {  	_ =	shalt  }
0x4b: {  	_ =	shalt  }
0x4c: {  	_ =	shalt  }
0x4d: {  	_ =	shalt  }
0x4e: {  	_ =	shalt  }
0x4f: {  	_ =	shalt  }
0x50: {  	_ =	shalt  }
0x51: {  	_ =	shalt  }
0x52: {  	_ =	shalt  }
0x53: {  	_ =	shalt  }
0x54: {  	_ =	shalt  }
0x55: {  	_ =	shalt  }
0x56: {  	_ =	shalt  }
0x57: {  	_ =	shalt  }
0x58: {  	_ =	shalt  }
0x59: {  	_ =	shalt  }
0x5a: {  	_ =	shalt  }
0x5b: {  	_ =	shalt  }
0x5c: {  	_ =	shalt  }
0x5d: {  	_ =	shalt  }
0x5e: {  	_ =	shalt  }
0x5f: {  	_ =	shalt  }
0x60: {  	_ =	shalt  }
0x61: {  	_ =	shalt  }
0x62: {  	_ =	shalt  }
0x63: {  	_ =	shalt  }
0x64: {  	_ =	shalt  }
0x65: {  	_ =	shalt  }
0x66: {  	_ =	shalt  }
0x67: {  	_ =	shalt  }
0x68: {  	_ =	shalt  }
0x69: {  	_ =	shalt  }
0x6a: {  	_ =	shalt  }
0x6b: {  	_ =	shalt  }
0x6c: {  	_ =	shalt  }
0x6d: {  	_ =	shalt  }
0x6e: {  	_ =	shalt  }
0x6f: {  	_ =	shalt  }
0x70: {  	_ =	shalt  }
0x71: {  	_ =	shalt  }
0x72: {  	_ =	shalt  }
0x73: {  	_ =	shalt  }
0x74: {  	_ =	shalt  }
0x75: {  	_ =	shalt  }
0x76: {  	_ =	shalt  }
0x77: {  	_ =	shalt  }
0x78: {  	_ =	shalt  }
0x79: {  	_ =	shalt  }
0x7a: {  	_ =	shalt  }
0x7b: {  	_ =	shalt  }
0x7c: {  	_ =	shalt  }
0x7d: {  	_ =	shalt  }
0x7e: {  	_ =	shalt  }
0x7f: {  	_ =	shalt  }
0x80: {  	_ =	shalt  }
0x81: {  	_ =	shalt  }
0x82: {  	_ =	shalt  }
0x83: {  	_ =	shalt  }
0x84: {  	_ =	shalt  }
0x85: {  	_ =	shalt  }
0x86: {  	_ =	shalt  }
0x87: {  	_ =	shalt  }
.Lfunc_end0:
.L_simem_size_0:
called_computation.1_lowered:
.L_overlay_start_0:
0x88: {  	s2 =	sld [smem:$0x3FD9]  }
0x89: {  	s3 =	sld [smem:$0x3FFE];
	_ =	sdelay $0x1  }
0x8a: {  	s1 =	srdreg.scid  }
0x8b: {  	s0 =	sand.u32 $0x1, s1  }
0x8c: {  	s17 =	sshll.u32 s0, $0xA;
	s2 =	sadd.s32 s3, s2  }
0x8d: {  	s2 =	sadd.s32 s2, s17  }
0x8e: {  	[smem:$0x3FC6] =	sst s2  }
0x8f: {  	_ = 	snop  }
0x90: {  	s2 =	sld [smem:$0x3FD0];
	(tm) =	ssettm $0x1  }
0x91: {  	s18 =	sld [smem:$0x3FFB];
	_ =	sdelay $0x3  }
0x92: {  	_ =	strace s18  }
0x93: {  	s3 =	sld [smem:$0x3FFC];
	_ =	sdelay $0x3  }
0x94: {  	_ =	strace s3  }
0x95: {  	s3 =	sld [smem:$0x3FFD];
	_ =	sdelay $0x3  }
0x96: {  	_ =	strace s3  }
0x97: {  	_ =	strace $0x8FFFFFFF  }
0x98: {  	s19 =	sld [smem:$0x3FDB];
	_ =	sdelay $0x1  }
0x99: {  	s4 =	simm.s32 $_scs_section_size  }
0x9a: {  	s5 =	simm.s32 $_size__tile_overlayer_lowered;
	s6 =	simm.s32 $_tile_overlayer_lowered  }
0x9b: {  	s22 =	simm.s32 $0x1BFF;
	s21 =	sshll.u32 s6, $0x1;
	s3 =	sadd.s32 s4, s19  }
0x9c: {  	s7 =	simm.s32 $0x0;
	s20 =	sshll.u32 s5, $0x1;
	s5 =	sadd.s32 s21, s3  }
0x9d: {  	[timem:s7], [sflag:s22] =	dma.local [hbm:s5], s20  }
0x9e: {  	_ =	swait.ge [sflag:s22], s20  }
0x9f: {  	s4 =	ssub.s32 $0x0, s20;
	[sflag:s22] =	ssyncset.done $0x0  }
0xa0: {  	[sflag:s22] =	ssyncadd.s32 s4;
	_ =	sdelay $0x1  }
0xa1: {  	s23 =	simm.s32 $0x1B8B  }
0xa2: {  	_ =	swait.ge [sflag:s23], $0x1  }
0xa3: {  	[sflag:s23] =	ssyncset.done $0x0  }
0xa4: {  	s25 =	simm.s32 $0x1B8E;
	s24 =	sld [smem:$0x3FFE];
	[sflag:s23] =	ssyncadd.s32 $0xFFFFFFFF  }
0xa5: {  	s26 =	simm.s32 $execute0_lowered;
	[smem:$0x3FD2] =	sst s25  }
0xa6: {  	s5 =	sshll.u32 s26, $0x1;
	_ =	strace $0x80000046;
	[dreg:$0x1] =	wrdreg $0xFFFFFFFF  }
0xa7: {  	s28 =	simm.s32 $_size_execute0_lowered;
	s3 =	sadd.s32 s3, s5;
	[dreg:$0x0] =	wrdreg $0x0  }
0xa8: {  	s5 =	sshll.u32 s28, $0x1;
	[dreg:$0x2] =	wrdreg s3  }
0xa9: {  	[dreg:$0x3] =	wrdreg s5  }
0xaa: {  	[dreg:$0x4] =	wrdreg $0xC0  }
0xab: {  	_ =	task [dreg:s7], $0x5FFFF  }
0xac: {  	[dreg:$0x1] =	wrdreg $0xFFFFFFFF  }
0xad: {  	[dreg:$0x0] =	wrdreg $0x60  }
0xae: {  	[dreg:$0x2] =	wrdreg s2  }
0xaf: {  	[dreg:$0x3] =	wrdreg s24  }
0xb0: {  	[dreg:$0x4] =	wrdreg $0x9  }
0xb1: {  	_ =	task.clear_ibuf [dreg:s7], $0x5FFFF;
	_ =	strace $0x90000046  }
0xb2: {  	s29 =	simm.s32 $0x9;
	_ =	strace $0x80000048  }
0xb3: {  	_ =	swait.ge [sflag:s29], $0x1  }
0xb4: {  	[sflag:s29] =	ssyncadd.s32 $0xFFFFFFFF  }
0xb5: {  	_ =	strace $0x90000048  }
0xb6: {  	_ =	sfence  }
0xb7: {  	s30 =	sld [smem:$0x0];
	_ =	sdelay $0x2  }
0xb8: {  	s31 =	sshll.u32 s1, $0xD;
	s1 =	sshrl.u32 s1, $0x2  }
0xb9: {  	s3 =	sand.u32 $0x4000, s31;
	s1 =	sadd.s32 s1, s30  }
0xba: {  	s0 =	sor.u32 s3, s0;
	s1 =	sshll.u32 s1, $0x11  }
0xbb: {  	s0 =	sor.u32 s1, s0  }
0xbc: {  	s0 =	sadd.s32 $0x8F2B, s0  }
0xbd: {  	[sflag:s0] =	ssyncadd.remote.s32 $0x1  }
0xbe: {  	_ =	sfence.sel $0xFFFF  }
0xbf: {  	[dreg:$0x0] =	wrdreg $0xFFFFFFFF;
	(pc) =	sbr.abs _section_cstart, $3  }
0xc0: {  	[dreg:$0x1] =	wrdreg $0xFFFFFFFF  }
0xc1: {  	_ =	task.clear_ibuf [dreg:s7], $0x2FFFF;
	_ =	strace $0x9FFFFFFF  }
0xc2: {  	(tm) =	ssettm $0x7FFFFFFF  }
0xc3: {  	_ =	shalt  }
tec
execute0_lowered:
.L_overlay_start_1:
0x0: {  	(tag) =	ssettag $0x1  }
0x1: {  	s0 =	rddreg [dreg:$0x0]  }
0x2: {  	s1 =	rddreg [dreg:$0x1]  }
0x3: {  	s3 =	srdreg.scid;
	s4 =	stileid.u32;
	s2 =	simm.s32 $0x0  }
0x4: {  	s10 =	simm.s32 $0x80;
	s11 =	simm.s32 $0x6400;
	s14 =	simm.s32 $0xA400  }
0x5: {  	s15 =	simm.s32 $0x180;
	s16 =	simm.s32 $0xC400;
	s17 =	simm.s32 $0x200  }
0x6: {  	s18 =	simm.s32 $0xE400;
	s19 =	simm.s32 $0x280;
	s20 =	simm.s32 $0x10400  }
0x7: {  	s21 =	simm.s32 $0x300;
	s22 =	simm.s32 $0x12400;
	s23 =	simm.s32 $0x380  }
0x8: {  	s24 =	simm.s32 $0x14400;
	s3 =	sand.u32 $0x1, s3;
	s4 =	sshll.u32 s4, $0x1  }
0x9: {  	s25 =	simm.s32 $0x1;
	s26 =	simm.s32 $0x40;
	s6 =	sor.u32 s3, s4  }
0xa: {  	s28 =	simm.s32 $0x2;
	[smem:$0x7FF] =	sst s2;
	s7 =	smul.u32 $0xC80, s6  }
.Ltmp0:
0xb: {  	s29 =	simm.s32 $0x0;
	_ =	strace $0x80000047;
	(pc) =	sbr.rel .LBB2_1-.Ltmp0, $4  }
0xc: {  	s5 =	ssub.s32 $0x2, s3;
	s3 =	sadd.s32 $0xF42E00, s1;
	s9 =	smul.u32 $0x64000, s6  }
0xd: {  	s4 =	sadd.s32 $0xA00, s1;
	s8 =	sshrl.u32 s5, $0x1;
	s6 =	smul.u32 $0x320000, s6  }
0xe: {  	s30 =	ssub.s32 s5, s8;
	s5 =	sadd.s32 s0, s7;
	s31 =	sadd.s32 s9, s4  }
0xf: {  	s7 =	smax.u32 s30, $0x1;
	s9 =	simm.s32 $0x3;
	s8 =	sadd.s32 $0x2000, s31  }
.LBB2_8:
0x10: {  	s29 =	sadd.s32 $0x1, s29  }
0x11: {  	p0 =	sne.s32 s29, s7  }
.Ltmp1:
0x12: {  	_ = 	snop;
	(pc) =	sbr.rel @!p0 .LBB2_9-.Ltmp1, $1  }
0x13: {  	_ =	sdelay $0x3  }
.LBB2_1:
0x14: {  	[tilespmem:s2], [sflag:$0x3] =	stream.linear.gather [hbm4b:s5+s2], $0x6400, $0x38;
	[tilespmem:$0x16400] =	vst v63  }
0x15: {  	_ =	swait.ge [sflag:s9], $0x6400  }
0x16: {  	[sflag:s9] =	ssyncset.done $0x0  }
0x17: {  	[sflag:s9] =	ssyncadd.s32 $0xFFFF9C00  }
0x18: {  	[tilespmem:s11], [sflag:$0x1] =	stream.indirect.gather [hbm4b:s3+s10], $0x40, s2, s10, $0xb8;
	[tilespmem:$0x16400] =	vst v63  }
0x19: {  	s0 =	simm.s32 $0x8400  }
0x1a: {  	[tilespmem:s0], [sflag:$0x1] =	stream.indirect.gather [hbm4b:s3+s10], $0x40, s10, s10, $0xb8;
	[tilespmem:$0x16400] =	vst v63  }
0x1b: {  	s31 =	simm.s32 $0x100  }
0x1c: {  	[tilespmem:s14], [sflag:$0x1] =	stream.indirect.gather [hbm4b:s3+s10], $0x40, s31, s10, $0xb8;
	[tilespmem:$0x16400] =	vst v63  }
0x1d: {  	_ = 	snop  }
0x1e: {  	[tilespmem:s16], [sflag:$0x1] =	stream.indirect.gather [hbm4b:s3+s10], $0x40, s15, s10, $0xb8;
	[tilespmem:$0x16400] =	vst v63  }
0x1f: {  	_ = 	snop  }
0x20: {  	[tilespmem:s18], [sflag:$0x2] =	stream.indirect.gather [hbm4b:s3+s10], $0x40, s17, s10, $0xb8;
	[tilespmem:$0x16400] =	vst v63  }
0x21: {  	_ = 	snop  }
0x22: {  	[tilespmem:s20], [sflag:$0x2] =	stream.indirect.gather [hbm4b:s3+s10], $0x40, s19, s10, $0xb8;
	[tilespmem:$0x16400] =	vst v63  }
0x23: {  	_ = 	snop  }
0x24: {  	[tilespmem:s22], [sflag:$0x2] =	stream.indirect.gather [hbm4b:s3+s10], $0x40, s21, s10, $0xb8;
	[tilespmem:$0x16400] =	vst v63  }
0x25: {  	s30 =	simm.s32 $0x0  }
0x26: {  	[tilespmem:s24], [sflag:$0x2] =	stream.indirect.gather [hbm4b:s3+s10], $0x40, s23, s10, $0xb8;
	[tilespmem:$0x16400] =	vst v63  }
.LBB2_2:
0x27: {  	_ =	swait.ge [sflag:s25], $0x8000  }
0x28: {  	[sflag:s25] =	ssyncset.done $0x0  }
0x29: {  	s31 =	simm.s32 $0x6500;
	[sflag:s25] =	ssyncadd.s32 $0xFFFF8000  }
0x2a: {  	v0 =	vld [tilespmem:s31+$0xF0]  }
0x2b: {  	v1 =	vld [tilespmem:s31+$0xFFFFFF10]  }
0x2c: {  	v2 =	vld [tilespmem:s31+$0xFFFFFF20]  }
0x2d: {  	v3 =	vld [tilespmem:s31+$0xFFFFFF30]  }
0x2e: {  	v4 =	vld [tilespmem:s31+$0xFFFFFF40]  }
0x2f: {  	v5 =	vld [tilespmem:s31+$0xFFFFFF50];
	v0 =	vmul.f32 $8.000000000e+00, v0  }
0x30: {  	v6 =	vld [tilespmem:s31+$0xFFFFFF60];
	v1 =	vmul.f32 $8.000000000e+00, v1  }
0x31: {  	v7 =	vld [tilespmem:s31+$0xFFFFFF70];
	v2 =	vmul.f32 $8.000000000e+00, v2;
	[tilespmem:s31+$0xF0] =	vst v0  }
0x32: {  	[tilespmem:s31+$0xFFFFFF10] =	vst v1;
	v0 =	vmul.f32 $8.000000000e+00, v3;
	v1 =	vld [tilespmem:s31+$0xFFFFFF80]  }
0x33: {  	[tilespmem:s31+$0xFFFFFF20] =	vst v2;
	v2 =	vmul.f32 $8.000000000e+00, v4;
	v3 =	vld [tilespmem:s31+$0xFFFFFF90]  }
0x34: {  	v4 =	vld [tilespmem:s31+$0xFFFFFFA0];
	[tilespmem:s31+$0xFFFFFF30] =	vst v0;
	v0 =	vmul.f32 $8.000000000e+00, v5  }
0x35: {  	[tilespmem:s31+$0xFFFFFF40] =	vst v2;
	v2 =	vmul.f32 $8.000000000e+00, v6;
	v5 =	vld [tilespmem:s31+$0xFFFFFFB0]  }
0x36: {  	v6 =	vld [tilespmem:s31+$0xFFFFFFC0];
	[tilespmem:s31+$0xFFFFFF50] =	vst v0;
	v0 =	vmul.f32 $8.000000000e+00, v7  }
0x37: {  	[tilespmem:s31+$0xFFFFFF60] =	vst v2;
	v2 =	vld [tilespmem:s31+$0xFFFFFFD0];
	v1 =	vmul.f32 $8.000000000e+00, v1  }
0x38: {  	[tilespmem:s31+$0xFFFFFF70] =	vst v0;
	v0 =	vmul.f32 $8.000000000e+00, v3;
	v3 =	vld [tilespmem:s31+$0xFFFFFFE0]  }
0x39: {  	[tilespmem:s31+$0xFFFFFF80] =	vst v1;
	v1 =	vmul.f32 $8.000000000e+00, v4;
	v4 =	vld [tilespmem:s31+$0xFFFFFFF0]  }
0x3a: {  	[tilespmem:s31+$0xFFFFFF90] =	vst v0;
	v0 =	vmul.f32 $8.000000000e+00, v5;
	v5 =	vld [tilespmem:s31+$0x0]  }
0x3b: {  	[tilespmem:s31+$0xFFFFFFA0] =	vst v1;
	v1 =	vmul.f32 $8.000000000e+00, v6;
	v6 =	vld [tilespmem:s31+$0x10]  }
0x3c: {  	[tilespmem:s31+$0xFFFFFFB0] =	vst v0;
	v0 =	vmul.f32 $8.000000000e+00, v2;
	v2 =	vld [tilespmem:s31+$0x20]  }
0x3d: {  	[tilespmem:s31+$0xFFFFFFC0] =	vst v1;
	v1 =	vmul.f32 $8.000000000e+00, v3;
	v3 =	vld [tilespmem:s31+$0x30]  }
0x3e: {  	[tilespmem:s31+$0xFFFFFFD0] =	vst v0;
	v0 =	vmul.f32 $8.000000000e+00, v4;
	v4 =	vld [tilespmem:s31+$0x40]  }
0x3f: {  	[tilespmem:s31+$0xFFFFFFE0] =	vst v1;
	v1 =	vmul.f32 $8.000000000e+00, v5;
	v5 =	vld [tilespmem:s31+$0x50]  }
0x40: {  	[tilespmem:s31+$0xFFFFFFF0] =	vst v0;
	v0 =	vmul.f32 $8.000000000e+00, v6;
	v6 =	vld [tilespmem:s31+$0x60]  }
0x41: {  	[tilespmem:s31+$0x0] =	vst v1;
	v1 =	vmul.f32 $8.000000000e+00, v2;
	v2 =	vld [tilespmem:s31+$0x70]  }
0x42: {  	[tilespmem:s31+$0x10] =	vst v0;
	v0 =	vmul.f32 $8.000000000e+00, v3;
	v3 =	vld [tilespmem:s31+$0x80]  }
0x43: {  	[tilespmem:s31+$0x20] =	vst v1;
	v1 =	vmul.f32 $8.000000000e+00, v4;
	v4 =	vld [tilespmem:s31+$0x90]  }
0x44: {  	v7 =	vld [tilespmem:s31+$0xA0];
	[tilespmem:s31+$0x30] =	vst v0;
	v5 =	vmul.f32 $8.000000000e+00, v5  }
0x45: {  	v0 =	vld [tilespmem:s31+$0xB0];
	[tilespmem:s31+$0x40] =	vst v1;
	v6 =	vmul.f32 $8.000000000e+00, v6  }
0x46: {  	v1 =	vld [tilespmem:s31+$0xC0];
	[tilespmem:s31+$0x50] =	vst v5;
	v5 =	vmul.f32 $8.000000000e+00, v2  }
0x47: {  	v2 =	vld [tilespmem:s31+$0xD0];
	[tilespmem:s31+$0x60] =	vst v6;
	v6 =	vmul.f32 $8.000000000e+00, v3  }
0x48: {  	v3 =	vld [tilespmem:s31+$0xE0];
	[tilespmem:s31+$0x70] =	vst v5;
	v5 =	vmul.f32 $8.000000000e+00, v4  }
0x49: {  	s0 =	simm.s32 $0x0;
	s1 =	simm.s32 $0x6700;
	v4 =	vld [tilespmem:s31+$0xFFFFFF00];
	[tilespmem:s31+$0x80] =	vst v6;
	v6 =	vmul.f32 $8.000000000e+00, v7  }
.LBB2_3:
0x4a: {  	v7 =	vld [tilespmem:s1+$0xF0];
	s0 =	sadd.s32 $0x8, s0;
	[tilespmem:s31+$0x90] =	vst v5;
	v0 =	vmul.f32 $8.000000000e+00, v0  }
0x4b: {  	v5 =	vld [tilespmem:s1+$0xFFFFFF10];
	p0 =	slt.u32 s0, $0x1F8;
	[tilespmem:s31+$0xA0] =	vst v6;
	v1 =	vmul.f32 $8.000000000e+00, v1  }
0x4c: {  	v6 =	vld [tilespmem:s1+$0xFFFFFF20];
	[tilespmem:s31+$0xB0] =	vst v0;
	v0 =	vmul.f32 $8.000000000e+00, v2  }
0x4d: {  	v2 =	vld [tilespmem:s1+$0xFFFFFF30];
	[tilespmem:s31+$0xC0] =	vst v1;
	v1 =	vmul.f32 $8.000000000e+00, v3  }
0x4e: {  	v3 =	vld [tilespmem:s1+$0xFFFFFF40];
	v4 =	vmul.f32 $8.000000000e+00, v4;
	[tilespmem:s31+$0xD0] =	vst v0  }
0x4f: {  	v0 =	vld [tilespmem:s1+$0xFFFFFF50];
	v7 =	vmul.f32 $8.000000000e+00, v7;
	[tilespmem:s31+$0xE0] =	vst v1  }
0x50: {  	v1 =	vmul.f32 $8.000000000e+00, v5;
	v5 =	vld [tilespmem:s1+$0xFFFFFF60];
	[tilespmem:s31+$0xFFFFFF00] =	vst v4;
	s31 =	smov.u32 s1  }
0x51: {  	v4 =	vmul.f32 $8.000000000e+00, v6;
	v6 =	vld [tilespmem:s1+$0xFFFFFF70];
	[tilespmem:s1+$0xF0] =	vst v7  }
0x52: {  	[tilespmem:s1+$0xFFFFFF10] =	vst v1;
	v1 =	vmul.f32 $8.000000000e+00, v2;
	v2 =	vld [tilespmem:s1+$0xFFFFFF80]  }
0x53: {  	[tilespmem:s1+$0xFFFFFF20] =	vst v4;
	v3 =	vmul.f32 $8.000000000e+00, v3;
	v4 =	vld [tilespmem:s1+$0xFFFFFF90]  }
0x54: {  	[tilespmem:s1+$0xFFFFFF30] =	vst v1;
	v0 =	vmul.f32 $8.000000000e+00, v0;
	v1 =	vld [tilespmem:s1+$0xFFFFFFA0]  }
0x55: {  	[tilespmem:s1+$0xFFFFFF40] =	vst v3;
	v3 =	vmul.f32 $8.000000000e+00, v5;
	v5 =	vld [tilespmem:s1+$0xFFFFFFB0]  }
0x56: {  	[tilespmem:s1+$0xFFFFFF50] =	vst v0;
	v0 =	vmul.f32 $8.000000000e+00, v6;
	v6 =	vld [tilespmem:s1+$0xFFFFFFC0]  }
0x57: {  	[tilespmem:s1+$0xFFFFFF60] =	vst v3;
	v2 =	vmul.f32 $8.000000000e+00, v2;
	v3 =	vld [tilespmem:s1+$0xFFFFFFD0]  }
0x58: {  	[tilespmem:s1+$0xFFFFFF70] =	vst v0;
	v0 =	vmul.f32 $8.000000000e+00, v4;
	v4 =	vld [tilespmem:s1+$0xFFFFFFE0]  }
0x59: {  	[tilespmem:s1+$0xFFFFFF80] =	vst v2;
	v1 =	vmul.f32 $8.000000000e+00, v1;
	v2 =	vld [tilespmem:s1+$0xFFFFFFF0]  }
0x5a: {  	[tilespmem:s1+$0xFFFFFF90] =	vst v0;
	v0 =	vmul.f32 $8.000000000e+00, v5;
	v5 =	vld [tilespmem:s1+$0x0]  }
0x5b: {  	[tilespmem:s1+$0xFFFFFFA0] =	vst v1;
	v1 =	vmul.f32 $8.000000000e+00, v6;
	v6 =	vld [tilespmem:s1+$0x10]  }
0x5c: {  	[tilespmem:s1+$0xFFFFFFB0] =	vst v0;
	v0 =	vmul.f32 $8.000000000e+00, v3;
	v3 =	vld [tilespmem:s1+$0x20]  }
0x5d: {  	[tilespmem:s1+$0xFFFFFFC0] =	vst v1;
	v1 =	vmul.f32 $8.000000000e+00, v4;
	v4 =	vld [tilespmem:s1+$0x30]  }
0x5e: {  	[tilespmem:s1+$0xFFFFFFD0] =	vst v0;
	v0 =	vmul.f32 $8.000000000e+00, v2;
	v2 =	vld [tilespmem:s1+$0x40]  }
0x5f: {  	[tilespmem:s1+$0xFFFFFFE0] =	vst v1;
	v1 =	vmul.f32 $8.000000000e+00, v5;
	v5 =	vld [tilespmem:s1+$0x50]  }
0x60: {  	[tilespmem:s1+$0xFFFFFFF0] =	vst v0;
	v0 =	vmul.f32 $8.000000000e+00, v6;
	v6 =	vld [tilespmem:s1+$0x60]  }
0x61: {  	[tilespmem:s1+$0x0] =	vst v1;
	v1 =	vmul.f32 $8.000000000e+00, v3;
	v3 =	vld [tilespmem:s1+$0x70]  }
0x62: {  	[tilespmem:s1+$0x10] =	vst v0;
	v0 =	vmul.f32 $8.000000000e+00, v4;
	v4 =	vld [tilespmem:s1+$0x80]  }
0x63: {  	[tilespmem:s1+$0x20] =	vst v1;
	v1 =	vmul.f32 $8.000000000e+00, v2;
	v7 =	vld [tilespmem:s1+$0x90]  }
0x64: {  	[tilespmem:s1+$0x30] =	vst v0;
	v2 =	vmul.f32 $8.000000000e+00, v5;
	v8 =	vld [tilespmem:s1+$0xA0]  }
.Ltmp2:
0x65: {  	[tilespmem:s1+$0x40] =	vst v1;
	v5 =	vmul.f32 $8.000000000e+00, v6;
	v0 =	vld [tilespmem:s1+$0xB0];
	(pc) =	sbr.rel @p0 .LBB2_3-.Ltmp2, $4  }
0x66: {  	[tilespmem:s1+$0x50] =	vst v2;
	v3 =	vmul.f32 $8.000000000e+00, v3;
	v1 =	vld [tilespmem:s1+$0xC0]  }
0x67: {  	[tilespmem:s1+$0x60] =	vst v5;
	v6 =	vmul.f32 $8.000000000e+00, v4;
	v2 =	vld [tilespmem:s1+$0xD0]  }
0x68: {  	[tilespmem:s1+$0x70] =	vst v3;
	v5 =	vmul.f32 $8.000000000e+00, v7;
	v3 =	vld [tilespmem:s1+$0xE0]  }
0x69: {  	s1 =	sadd.s32 $0x200, s1;
	v4 =	vld [tilespmem:s31+$0xFFFFFF00];
	[tilespmem:s31+$0x80] =	vst v6;
	v6 =	vmul.f32 $8.000000000e+00, v8  }
0x6a: {  	[tilespmem:s31+$0x90] =	vst v5;
	v0 =	vmul.f32 $8.000000000e+00, v0  }
0x6b: {  	[tilespmem:s31+$0xA0] =	vst v6;
	v1 =	vmul.f32 $8.000000000e+00, v1  }
0x6c: {  	[tilespmem:s31+$0xB0] =	vst v0;
	v0 =	vmul.f32 $8.000000000e+00, v2  }
0x6d: {  	s0 =	sshll.u32 s30, $0x11;
	[tilespmem:s31+$0xC0] =	vst v1;
	v1 =	vmul.f32 $8.000000000e+00, v3  }
0x6e: {  	s0 =	sadd.s32 s6, s0;
	v2 =	vmul.f32 $8.000000000e+00, v4;
	[tilespmem:s31+$0xD0] =	vst v0  }
0x6f: {  	s0 =	sshrl.u32 s0, $0x3;
	[tilespmem:s31+$0xE0] =	vst v1  }
0x70: {  	s0 =	sadd.s32 s4, s0;
	[tilespmem:s31+$0xFFFFFF00] =	vst v2  }
0x71: {  	[hbm4b:s0+s26] =	stream.strided.scatter [tilespmem:s11], [sflag:$0x3], $0x8000, s10, s26, $0x38;
	[tilespmem:$0x16400] =	vst v63  }
0x72: {  	p0 =	seq.s32 s30, $0x18;
	s31 =	sshll.u32 s30, $0xC;
	_ =	swait.ge [sflag:s9], $0x8000  }
0x73: {  	s12 =	simm.s32 @!p0 $0x80;
	s0 =	sshrl.u32 @!p0 s31, $0x2;
	[sflag:s9] =	ssyncset.done $0x0  }
0x74: {  	s13 =	simm.s32 @!p0 $0x6400;
	s1 =	sadd.s32 @!p0 $0x400, s0;
	[sflag:s9] =	ssyncadd.s32 $0xFFFF8000  }
0x75: {  	[tilespmem:s13], [sflag:$0x1] =	stream.indirect.gather @!p0 [hbm4b:s3+s12], $0x40, s1, s12, $0xb8;
	[tilespmem:$0x16400] =	vst v63  }
0x76: {  	s1 =	sadd.s32 @!p0 $0x480, s0;
	s13 =	simm.s32 @!p0 $0x8400  }
0x77: {  	[tilespmem:s13], [sflag:$0x1] =	stream.indirect.gather @!p0 [hbm4b:s3+s12], $0x40, s1, s12, $0xb8;
	[tilespmem:$0x16400] =	vst v63  }
0x78: {  	s1 =	sadd.s32 @!p0 $0x500, s0;
	s13 =	simm.s32 @!p0 $0xA400  }
0x79: {  	[tilespmem:s13], [sflag:$0x1] =	stream.indirect.gather @!p0 [hbm4b:s3+s12], $0x40, s1, s12, $0xb8;
	[tilespmem:$0x16400] =	vst v63  }
0x7a: {  	s0 =	sadd.s32 @!p0 $0x580, s0;
	s1 =	simm.s32 @!p0 $0xC400  }
0x7b: {  	[tilespmem:s1], [sflag:$0x1] =	stream.indirect.gather @!p0 [hbm4b:s3+s12], $0x40, s0, s12, $0xb8;
	[tilespmem:$0x16400] =	vst v63  }
0x7c: {  	_ =	swait.ge [sflag:s28], $0x8000  }
0x7d: {  	[sflag:s28] =	ssyncset.done $0x0  }
0x7e: {  	s0 =	simm.s32 $0xE500;
	[sflag:s28] =	ssyncadd.s32 $0xFFFF8000  }
0x7f: {  	v0 =	vld [tilespmem:s0+$0xF0]  }
0x80: {  	v1 =	vld [tilespmem:s0+$0xFFFFFF10]  }
0x81: {  	v2 =	vld [tilespmem:s0+$0xFFFFFF20]  }
0x82: {  	v3 =	vld [tilespmem:s0+$0xFFFFFF30]  }
0x83: {  	v4 =	vld [tilespmem:s0+$0xFFFFFF40]  }
0x84: {  	v5 =	vld [tilespmem:s0+$0xFFFFFF50];
	v0 =	vmul.f32 $8.000000000e+00, v0  }
0x85: {  	v6 =	vld [tilespmem:s0+$0xFFFFFF60];
	v1 =	vmul.f32 $8.000000000e+00, v1  }
0x86: {  	v7 =	vld [tilespmem:s0+$0xFFFFFF70];
	v2 =	vmul.f32 $8.000000000e+00, v2;
	[tilespmem:s0+$0xF0] =	vst v0  }
0x87: {  	[tilespmem:s0+$0xFFFFFF10] =	vst v1;
	v0 =	vmul.f32 $8.000000000e+00, v3;
	v1 =	vld [tilespmem:s0+$0xFFFFFF80]  }
0x88: {  	[tilespmem:s0+$0xFFFFFF20] =	vst v2;
	v2 =	vmul.f32 $8.000000000e+00, v4;
	v3 =	vld [tilespmem:s0+$0xFFFFFF90]  }
0x89: {  	v4 =	vld [tilespmem:s0+$0xFFFFFFA0];
	[tilespmem:s0+$0xFFFFFF30] =	vst v0;
	v0 =	vmul.f32 $8.000000000e+00, v5  }
0x8a: {  	[tilespmem:s0+$0xFFFFFF40] =	vst v2;
	v2 =	vmul.f32 $8.000000000e+00, v6;
	v5 =	vld [tilespmem:s0+$0xFFFFFFB0]  }
0x8b: {  	v6 =	vld [tilespmem:s0+$0xFFFFFFC0];
	[tilespmem:s0+$0xFFFFFF50] =	vst v0;
	v0 =	vmul.f32 $8.000000000e+00, v7  }
0x8c: {  	[tilespmem:s0+$0xFFFFFF60] =	vst v2;
	v2 =	vld [tilespmem:s0+$0xFFFFFFD0];
	v1 =	vmul.f32 $8.000000000e+00, v1  }
0x8d: {  	[tilespmem:s0+$0xFFFFFF70] =	vst v0;
	v0 =	vmul.f32 $8.000000000e+00, v3;
	v3 =	vld [tilespmem:s0+$0xFFFFFFE0]  }
0x8e: {  	[tilespmem:s0+$0xFFFFFF80] =	vst v1;
	v1 =	vmul.f32 $8.000000000e+00, v4;
	v4 =	vld [tilespmem:s0+$0xFFFFFFF0]  }
0x8f: {  	[tilespmem:s0+$0xFFFFFF90] =	vst v0;
	v0 =	vmul.f32 $8.000000000e+00, v5;
	v5 =	vld [tilespmem:s0+$0x0]  }
0x90: {  	[tilespmem:s0+$0xFFFFFFA0] =	vst v1;
	v1 =	vmul.f32 $8.000000000e+00, v6;
	v6 =	vld [tilespmem:s0+$0x10]  }
0x91: {  	[tilespmem:s0+$0xFFFFFFB0] =	vst v0;
	v0 =	vmul.f32 $8.000000000e+00, v2;
	v2 =	vld [tilespmem:s0+$0x20]  }
0x92: {  	[tilespmem:s0+$0xFFFFFFC0] =	vst v1;
	v1 =	vmul.f32 $8.000000000e+00, v3;
	v3 =	vld [tilespmem:s0+$0x30]  }
0x93: {  	[tilespmem:s0+$0xFFFFFFD0] =	vst v0;
	v0 =	vmul.f32 $8.000000000e+00, v4;
	v4 =	vld [tilespmem:s0+$0x40]  }
0x94: {  	[tilespmem:s0+$0xFFFFFFE0] =	vst v1;
	v1 =	vmul.f32 $8.000000000e+00, v5;
	v5 =	vld [tilespmem:s0+$0x50]  }
0x95: {  	[tilespmem:s0+$0xFFFFFFF0] =	vst v0;
	v0 =	vmul.f32 $8.000000000e+00, v6;
	v6 =	vld [tilespmem:s0+$0x60]  }
0x96: {  	[tilespmem:s0+$0x0] =	vst v1;
	v1 =	vmul.f32 $8.000000000e+00, v2;
	v2 =	vld [tilespmem:s0+$0x70]  }
0x97: {  	[tilespmem:s0+$0x10] =	vst v0;
	v0 =	vmul.f32 $8.000000000e+00, v3;
	v3 =	vld [tilespmem:s0+$0x80]  }
0x98: {  	[tilespmem:s0+$0x20] =	vst v1;
	v1 =	vmul.f32 $8.000000000e+00, v4;
	v4 =	vld [tilespmem:s0+$0x90]  }
0x99: {  	v7 =	vld [tilespmem:s0+$0xA0];
	[tilespmem:s0+$0x30] =	vst v0;
	v5 =	vmul.f32 $8.000000000e+00, v5  }
0x9a: {  	v0 =	vld [tilespmem:s0+$0xB0];
	[tilespmem:s0+$0x40] =	vst v1;
	v6 =	vmul.f32 $8.000000000e+00, v6  }
0x9b: {  	v1 =	vld [tilespmem:s0+$0xC0];
	[tilespmem:s0+$0x50] =	vst v5;
	v5 =	vmul.f32 $8.000000000e+00, v2  }
0x9c: {  	v2 =	vld [tilespmem:s0+$0xD0];
	[tilespmem:s0+$0x60] =	vst v6;
	v6 =	vmul.f32 $8.000000000e+00, v3  }
0x9d: {  	v3 =	vld [tilespmem:s0+$0xE0];
	[tilespmem:s0+$0x70] =	vst v5;
	v5 =	vmul.f32 $8.000000000e+00, v4  }
0x9e: {  	s1 =	simm.s32 $0x0;
	s12 =	simm.s32 $0xE700;
	v4 =	vld [tilespmem:s0+$0xFFFFFF00];
	[tilespmem:s0+$0x80] =	vst v6;
	v6 =	vmul.f32 $8.000000000e+00, v7  }
.LBB2_5:
0x9f: {  	v7 =	vld [tilespmem:s12+$0xF0];
	s1 =	sadd.s32 $0x8, s1;
	[tilespmem:s0+$0x90] =	vst v5;
	v0 =	vmul.f32 $8.000000000e+00, v0  }
0xa0: {  	v5 =	vld [tilespmem:s12+$0xFFFFFF10];
	p1 =	slt.u32 s1, $0x1F8;
	[tilespmem:s0+$0xA0] =	vst v6;
	v1 =	vmul.f32 $8.000000000e+00, v1  }
0xa1: {  	v6 =	vld [tilespmem:s12+$0xFFFFFF20];
	[tilespmem:s0+$0xB0] =	vst v0;
	v0 =	vmul.f32 $8.000000000e+00, v2  }
0xa2: {  	v2 =	vld [tilespmem:s12+$0xFFFFFF30];
	[tilespmem:s0+$0xC0] =	vst v1;
	v1 =	vmul.f32 $8.000000000e+00, v3  }
0xa3: {  	v3 =	vld [tilespmem:s12+$0xFFFFFF40];
	v4 =	vmul.f32 $8.000000000e+00, v4;
	[tilespmem:s0+$0xD0] =	vst v0  }
0xa4: {  	v0 =	vld [tilespmem:s12+$0xFFFFFF50];
	v7 =	vmul.f32 $8.000000000e+00, v7;
	[tilespmem:s0+$0xE0] =	vst v1  }
0xa5: {  	v1 =	vmul.f32 $8.000000000e+00, v5;
	v5 =	vld [tilespmem:s12+$0xFFFFFF60];
	[tilespmem:s0+$0xFFFFFF00] =	vst v4;
	s0 =	smov.u32 s12  }
0xa6: {  	v4 =	vmul.f32 $8.000000000e+00, v6;
	v6 =	vld [tilespmem:s12+$0xFFFFFF70];
	[tilespmem:s12+$0xF0] =	vst v7  }
0xa7: {  	[tilespmem:s12+$0xFFFFFF10] =	vst v1;
	v1 =	vmul.f32 $8.000000000e+00, v2;
	v2 =	vld [tilespmem:s12+$0xFFFFFF80]  }
0xa8: {  	[tilespmem:s12+$0xFFFFFF20] =	vst v4;
	v3 =	vmul.f32 $8.000000000e+00, v3;
	v4 =	vld [tilespmem:s12+$0xFFFFFF90]  }
0xa9: {  	[tilespmem:s12+$0xFFFFFF30] =	vst v1;
	v0 =	vmul.f32 $8.000000000e+00, v0;
	v1 =	vld [tilespmem:s12+$0xFFFFFFA0]  }
0xaa: {  	[tilespmem:s12+$0xFFFFFF40] =	vst v3;
	v3 =	vmul.f32 $8.000000000e+00, v5;
	v5 =	vld [tilespmem:s12+$0xFFFFFFB0]  }
0xab: {  	[tilespmem:s12+$0xFFFFFF50] =	vst v0;
	v0 =	vmul.f32 $8.000000000e+00, v6;
	v6 =	vld [tilespmem:s12+$0xFFFFFFC0]  }
0xac: {  	[tilespmem:s12+$0xFFFFFF60] =	vst v3;
	v2 =	vmul.f32 $8.000000000e+00, v2;
	v3 =	vld [tilespmem:s12+$0xFFFFFFD0]  }
0xad: {  	[tilespmem:s12+$0xFFFFFF70] =	vst v0;
	v0 =	vmul.f32 $8.000000000e+00, v4;
	v4 =	vld [tilespmem:s12+$0xFFFFFFE0]  }
0xae: {  	[tilespmem:s12+$0xFFFFFF80] =	vst v2;
	v1 =	vmul.f32 $8.000000000e+00, v1;
	v2 =	vld [tilespmem:s12+$0xFFFFFFF0]  }
0xaf: {  	[tilespmem:s12+$0xFFFFFF90] =	vst v0;
	v0 =	vmul.f32 $8.000000000e+00, v5;
	v5 =	vld [tilespmem:s12+$0x0]  }
0xb0: {  	[tilespmem:s12+$0xFFFFFFA0] =	vst v1;
	v1 =	vmul.f32 $8.000000000e+00, v6;
	v6 =	vld [tilespmem:s12+$0x10]  }
0xb1: {  	[tilespmem:s12+$0xFFFFFFB0] =	vst v0;
	v0 =	vmul.f32 $8.000000000e+00, v3;
	v3 =	vld [tilespmem:s12+$0x20]  }
0xb2: {  	[tilespmem:s12+$0xFFFFFFC0] =	vst v1;
	v1 =	vmul.f32 $8.000000000e+00, v4;
	v4 =	vld [tilespmem:s12+$0x30]  }
0xb3: {  	[tilespmem:s12+$0xFFFFFFD0] =	vst v0;
	v0 =	vmul.f32 $8.000000000e+00, v2;
	v2 =	vld [tilespmem:s12+$0x40]  }
0xb4: {  	[tilespmem:s12+$0xFFFFFFE0] =	vst v1;
	v1 =	vmul.f32 $8.000000000e+00, v5;
	v5 =	vld [tilespmem:s12+$0x50]  }
0xb5: {  	[tilespmem:s12+$0xFFFFFFF0] =	vst v0;
	v0 =	vmul.f32 $8.000000000e+00, v6;
	v6 =	vld [tilespmem:s12+$0x60]  }
0xb6: {  	[tilespmem:s12+$0x0] =	vst v1;
	v1 =	vmul.f32 $8.000000000e+00, v3;
	v3 =	vld [tilespmem:s12+$0x70]  }
0xb7: {  	[tilespmem:s12+$0x10] =	vst v0;
	v0 =	vmul.f32 $8.000000000e+00, v4;
	v4 =	vld [tilespmem:s12+$0x80]  }
0xb8: {  	[tilespmem:s12+$0x20] =	vst v1;
	v1 =	vmul.f32 $8.000000000e+00, v2;
	v7 =	vld [tilespmem:s12+$0x90]  }
0xb9: {  	[tilespmem:s12+$0x30] =	vst v0;
	v2 =	vmul.f32 $8.000000000e+00, v5;
	v8 =	vld [tilespmem:s12+$0xA0]  }
.Ltmp3:
0xba: {  	[tilespmem:s12+$0x40] =	vst v1;
	v5 =	vmul.f32 $8.000000000e+00, v6;
	v0 =	vld [tilespmem:s12+$0xB0];
	(pc) =	sbr.rel @p1 .LBB2_5-.Ltmp3, $4  }
0xbb: {  	[tilespmem:s12+$0x50] =	vst v2;
	v3 =	vmul.f32 $8.000000000e+00, v3;
	v1 =	vld [tilespmem:s12+$0xC0]  }
0xbc: {  	[tilespmem:s12+$0x60] =	vst v5;
	v6 =	vmul.f32 $8.000000000e+00, v4;
	v2 =	vld [tilespmem:s12+$0xD0]  }
0xbd: {  	[tilespmem:s12+$0x70] =	vst v3;
	v5 =	vmul.f32 $8.000000000e+00, v7;
	v3 =	vld [tilespmem:s12+$0xE0]  }
0xbe: {  	s12 =	sadd.s32 $0x200, s12;
	v4 =	vld [tilespmem:s0+$0xFFFFFF00];
	[tilespmem:s0+$0x80] =	vst v6;
	v6 =	vmul.f32 $8.000000000e+00, v8  }
0xbf: {  	[tilespmem:s0+$0x90] =	vst v5;
	v0 =	vmul.f32 $8.000000000e+00, v0  }
0xc0: {  	[tilespmem:s0+$0xA0] =	vst v6;
	v1 =	vmul.f32 $8.000000000e+00, v1  }
0xc1: {  	[tilespmem:s0+$0xB0] =	vst v0;
	v61 =	vmul.f32 $8.000000000e+00, v2  }
0xc2: {  	[tilespmem:s0+$0xC0] =	vst v1;
	v62 =	vmul.f32 $8.000000000e+00, v3  }
0xc3: {  	v63 =	vmul.f32 $8.000000000e+00, v4;
	[tilespmem:s0+$0xD0] =	vst v61  }
0xc4: {  	s1 =	sshll.u32 s30, $0xE;
	[tilespmem:s0+$0xE0] =	vst v62  }
.Ltmp4:
0xc5: {  	s13 =	sadd.s32 s8, s1;
	[tilespmem:s0+$0xFFFFFF00] =	vst v63;
	(pc) =	sbr.rel @p0 .LBB2_8-.Ltmp4, $4  }
0xc6: {  	[hbm4b:s13+s26] =	stream.strided.scatter [tilespmem:s18], [sflag:$0x3], $0x8000, s10, s26, $0x38;
	[tilespmem:$0x16400] =	vst v63  }
0xc7: {  	_ =	swait.ge [sflag:s9], $0x8000  }
0xc8: {  	[sflag:s9] =	ssyncset.done $0x0  }
0xc9: {  	[sflag:s9] =	ssyncadd.s32 $0xFFFF8000  }
0xca: {  	s0 =	sshrl.u32 s31, $0x2  }
0xcb: {  	s1 =	sadd.s32 $0x600, s0  }
0xcc: {  	[tilespmem:s18], [sflag:$0x2] =	stream.indirect.gather [hbm4b:s3+s10], $0x40, s1, s10, $0xb8;
	[tilespmem:$0x16400] =	vst v63  }
0xcd: {  	s13 =	sadd.s32 $0x680, s0  }
0xce: {  	[tilespmem:s20], [sflag:$0x2] =	stream.indirect.gather [hbm4b:s3+s10], $0x40, s13, s10, $0xb8;
	[tilespmem:$0x16400] =	vst v63  }
.Ltmp5:
0xcf: {  	_ = 	snop;
	(pc) =	sbr.rel .LBB2_2-.Ltmp5, $4  }
0xd0: {  	s31 =	sadd.s32 $0x700, s0  }
0xd1: {  	[tilespmem:s22], [sflag:$0x2] =	stream.indirect.gather [hbm4b:s3+s10], $0x40, s31, s10, $0xb8;
	[tilespmem:$0x16400] =	vst v63  }
0xd2: {  	s30 =	sadd.s32 $0x1, s30;
	s0 =	sadd.s32 $0x780, s0  }
0xd3: {  	[tilespmem:s24], [sflag:$0x2] =	stream.indirect.gather [hbm4b:s3+s10], $0x40, s0, s10, $0xb8;
	[tilespmem:$0x16400] =	vst v63  }
.LBB2_9:
0xd4: {  	_ =	sfence.sel $0x180000  }
0xd5: {  	[bflag:$0x0] =	sbarrier.arrive $0xFFFF  }
0xd6: {  	_ =	strace $0x90000047  }
0xd7: {  	s0 =	stileid.u32;
	[bflag:$0x2] =	sbarrier.arrive $0xFFFF  }
0xd8: {  	p0 =	sne.s32 s0, $0x0;
	s0 =	rddreg [dreg:$0x2]  }
0xd9: {  	s0 =	sadd.s32 @!p0 $0x100000, s0  }
0xda: {  	[sflag:s0] =	ssyncadd.tile.s32 @!p0 $0x1;
	_ =	shalt  }
.Lfunc_end2:
_tile_overlayer_lowered:
.L_overlay_start_2:
0xdb: {  	(tag) =	ssettag $0x2  }
0xdc: {  	s0 =	rddreg [dreg:$0x0];
	s2 =	stileid.u32  }
0xdd: {  	s1 =	rddreg [dreg:$0x1];
	p0 =	sne.s32 s2, $0x0  }
0xde: {  	s3 =	rddreg [dreg:$0x2];
	[bflag:$0x3] =	sbarrier.arrive $0xFFFF;
	s2 =	simm.s32 @!p0 $0x1C03  }
0xdf: {  	[timem:s3], [sflag:s2] =	dma.local @!p0 [hbm:s0], s1  }
0xe0: {  	s0 =	simm.s32 @!p0 $0x3  }
0xe1: {  	_ =	swait.ge @!p0 [sflag:s0], s1  }
0xe2: {  	s1 =	ssub.s32 @!p0 $0x0, s1;
	[sflag:s0] =	ssyncset.done @!p0 $0x0  }
0xe3: {  	[sflag:s0] =	ssyncadd.s32 @!p0 s1  }
0xe4: {  	[bflag:$0x3] =	sbarrier.arrive $0xFFFF  }
0xe5: {  	_ =	shalt  }

// kernel: sparse-core-data-format-call.cloned.1.call-start
scs
called_computation_lowered:
.L_overlay_start_0:
0x0: {  	s2 =	sld [smem:$0x3FD9]  }
0x1: {  	s3 =	sld [smem:$0x3FFE];
	_ =	sdelay $0x1  }
0x2: {  	s1 =	srdreg.scid  }
0x3: {  	s0 =	sand.u32 $0x1, s1  }
0x4: {  	s18 =	sshll.u32 s0, $0xA;
	s2 =	sadd.s32 s3, s2  }
0x5: {  	s2 =	sadd.s32 s2, s18  }
0x6: {  	[smem:$0x3FC6] =	sst s2  }
0x7: {  	_ = 	snop  }
0x8: {  	s2 =	sld [smem:$0x3FD0];
	(tm) =	ssettm $0x1  }
0x9: {  	s19 =	sld [smem:$0x3FFB];
	_ =	sdelay $0x3  }
0xa: {  	_ =	strace s19  }
0xb: {  	s3 =	sld [smem:$0x3FFC];
	_ =	sdelay $0x3  }
0xc: {  	_ =	strace s3  }
0xd: {  	s3 =	sld [smem:$0x3FFD];
	_ =	sdelay $0x3  }
0xe: {  	_ =	strace s3  }
0xf: {  	_ =	strace $0x8FFFFFFF  }
0x10: {  	s20 =	sld [smem:$0x3FDB];
	_ =	sdelay $0x1  }
0x11: {  	s4 =	simm.s32 $_scs_section_size  }
0x12: {  	s5 =	simm.s32 $_size__tile_overlayer_lowered;
	s6 =	simm.s32 $_tile_overlayer_lowered  }
0x13: {  	s23 =	simm.s32 $0x1BFF;
	s22 =	sshll.u32 s6, $0x1;
	s3 =	sadd.s32 s4, s20  }
0x14: {  	s7 =	simm.s32 $0x0;
	s21 =	sshll.u32 s5, $0x1;
	s5 =	sadd.s32 s22, s3  }
0x15: {  	[timem:s7], [sflag:s23] =	dma.local [hbm:s5], s21  }
0x16: {  	_ =	swait.ge [sflag:s23], s21  }
0x17: {  	s4 =	ssub.s32 $0x0, s21;
	[sflag:s23] =	ssyncset.done $0x0  }
0x18: {  	[sflag:s23] =	ssyncadd.s32 s4;
	_ =	sdelay $0x1  }
0x19: {  	s24 =	simm.s32 $0x1B8B  }
0x1a: {  	_ =	swait.ge [sflag:s24], $0x1  }
0x1b: {  	[sflag:s24] =	ssyncset.done $0x0  }
0x1c: {  	s26 =	simm.s32 $0x1B8E;
	s25 =	sld [smem:$0x3FFE];
	[sflag:s24] =	ssyncadd.s32 $0xFFFFFFFF  }
0x1d: {  	s27 =	simm.s32 $execute0_lowered;
	[smem:$0x3FD2] =	sst s26  }
0x1e: {  	s5 =	sshll.u32 s27, $0x1;
	_ =	strace $0x80000049;
	[dreg:$0x1] =	wrdreg $0xFFFFFFFF  }
0x1f: {  	s28 =	simm.s32 $_size_execute0_lowered;
	s3 =	sadd.s32 s3, s5;
	[dreg:$0x0] =	wrdreg $0x0  }
0x20: {  	s5 =	sshll.u32 s28, $0x1;
	[dreg:$0x2] =	wrdreg s3  }
0x21: {  	[dreg:$0x3] =	wrdreg s5  }
0x22: {  	[dreg:$0x4] =	wrdreg $0xC0  }
0x23: {  	_ =	task [dreg:s7], $0x5FFFF  }
0x24: {  	[dreg:$0x1] =	wrdreg $0xFFFFFFFF  }
0x25: {  	[dreg:$0x0] =	wrdreg $0x60  }
0x26: {  	[dreg:$0x2] =	wrdreg s25  }
0x27: {  	[dreg:$0x3] =	wrdreg s2  }
0x28: {  	[dreg:$0x4] =	wrdreg $0x9  }
0x29: {  	_ =	task.clear_ibuf [dreg:s7], $0x5FFFF;
	_ =	strace $0x90000049  }
0x2a: {  	s29 =	simm.s32 $0x9;
	_ =	strace $0x8000004B  }
0x2b: {  	_ =	swait.ge [sflag:s29], $0x1  }
0x2c: {  	[sflag:s29] =	ssyncadd.s32 $0xFFFFFFFF  }
0x2d: {  	_ =	strace $0x9000004B  }
0x2e: {  	_ =	sfence  }
0x2f: {  	s30 =	sld [smem:$0x0];
	_ =	sdelay $0x2  }
0x30: {  	s31 =	sshll.u32 s1, $0xD;
	s1 =	sshrl.u32 s1, $0x2  }
0x31: {  	s3 =	sand.u32 $0x4000, s31;
	s1 =	sadd.s32 s1, s30  }
0x32: {  	s0 =	sor.u32 s3, s0;
	s1 =	sshll.u32 s1, $0x11  }
0x33: {  	s0 =	sor.u32 s1, s0  }
0x34: {  	s0 =	sadd.s32 $0x8F2B, s0  }
0x35: {  	[sflag:s0] =	ssyncadd.remote.s32 $0x1  }
0x36: {  	_ =	sfence.sel $0xFFFF  }
0x37: {  	[dreg:$0x0] =	wrdreg $0xFFFFFFFF;
	(pc) =	sbr.abs _section_cstart, $3  }
0x38: {  	[dreg:$0x1] =	wrdreg $0xFFFFFFFF  }
0x39: {  	_ =	task.clear_ibuf [dreg:s7], $0x2FFFF;
	_ =	strace $0x9FFFFFFF  }
0x3a: {  	(tm) =	ssettm $0x7FFFFFFF  }
0x3b: {  	_ =	shalt  }
tec
execute0_lowered:
.L_overlay_start_1:
0x0: {  	(tag) =	ssettag $0x1  }
0x1: {  	s0 =	srdreg.scid  }
0x2: {  	s1 =	sshll.u32 s0, $0x4  }
0x3: {  	s0 =	stileid.u32;
	s1 =	sand.u32 $0x10, s1  }
0x4: {  	s1 =	sor.u32 s0, s1  }
0x5: {  	s6 =	rddreg [dreg:$0x0];
	s4 =	simm.s32 $0x1;
	s2 =	sshll.u32 s1, $0x7  }
0x6: {  	s7 =	simm.s32 $0x2;
	s12 =	simm.s32 $0x0;
	s1 =	ssub.s32 $0x1000, s2  }
0x7: {  	s8 =	simm.s32 $0x8000;
	s13 =	simm.s32 $0x0;
	s3 =	sand.u32 $0xF80, s1  }
0x8: {  	s9 =	simm.s32 $0x0;
	s5 =	sshrl.u32 s1, $0xC;
	p0 =	sne.s32 s3, $0x0  }
.Ltmp0:
0x9: {  	s1 =	rddreg [dreg:$0x2];
	s4 =	simm.s32 @!p0 $0x0;
	(pc) =	sbr.rel .LBB1_1-.Ltmp0, $4  }
0xa: {  	s11 =	simm.s32 $0x0;
	s3 =	rddreg [dreg:$0x1];
	s5 =	sadd.s32 s4, s5  }
0xb: {  	_ =	strace $0x8000004A;
	s4 =	simm.s32 $0x1;
	s5 =	smul.u32 $0xC8, s5  }
0xc: {  	s6 =	sadd.s32 $0xA00, s6;
	s10 =	smov.u32 s2;
	[sflag:s4] =	ssyncpa.u1 $0x0  }
0xd: {  	p0 =	por $0x0, $0x0;
	[sflag:s7] =	ssyncpa.u1 $0x0;
	s7 =	sor.u32 $0x1, s5  }
.LBB1_4:
0xe: {  	s16 =	sshll.u32 s13, $0x3;
	s17 =	sand.u32 $0x78, s13  }
0xf: {  	s30 =	sand.u32 $0x7E00, s13;
	s12 =	sshll.u32 s12, $0xF;
	s16 =	sand.u32 $0xC00, s16  }
0x10: {  	[tilespmem:s15+$0x810 ss:$0x81] =	vst.msk $0xffff, v2;
	s31 =	sand.u32 $0x7, s13;
	s16 =	sor.u32 s17, s16;
	s17 =	sadd.s32 s3, s30  }
0x11: {  	[tilespmem:s15+$0x1020 ss:$0x81] =	vst.msk $0xffff, v0;
	s13 =	sshll.u32 s31, $0x12;
	s12 =	sadd.s32 s12, s17;
	s16 =	sshrl.u32 s16, $0x3  }
0x12: {  	[tilespmem:s15+$0x0 ss:$0x81] =	vst.msk $0xffff, v1;
	s13 =	sor.u32 $0x400, s13;
	s12 =	sadd.s32 s16, s12  }
0x13: {  	[hbm4b:s12+s13] =	stream.strided.scatter [tilespmem:s14], [sflag:$0x2], $0x2000, s8, s13, $0x20;
	[tilespmem:$0x8080] =	vst v63  }
.LBB1_5:
0x14: {  	s14 =	sadd.s32 $0x1, s9  }
0x15: {  	s12 =	sadd.s32 $0x1000, s10;
	s16 =	smov.u32 s10;
	p2 =	sgt.s32 s14, $0xC7  }
0x16: {  	s16 =	smov.u32 @p2 s12  }
0x17: {  	s14 =	simm.s32 @p2 $0x0;
	p2 =	sgt.s32 s16, $0xFFF  }
0x18: {  	s16 =	smov.u32 @p2 s2;
	p2 =	sne.s32 s11, s7  }
.Ltmp1:
0x19: {  	p1 =	slt.u32 s11, $0x2;
	(pc) =	sbr.rel @!p2 .LBB1_6-.Ltmp1, $4  }
0x1a: {  	s15 =	simm.s32 @!p1 $0x2  }
0x1b: {  	s13 =	smov.u32 s10;
	p0 =	por !p0, !p0;
	_ =	swait.ge @!p1 [sflag:s15], $0x2000  }
0x1c: {  	s12 =	smov.u32 s9;
	[sflag:s15] =	ssyncset.done @!p1 $0x0;
	s9 =	smov.u32 s14  }
0x1d: {  	s11 =	sadd.s32 $0x1, s11;
	[sflag:s15] =	ssyncadd.s32 @!p1 $0xFFFFE000;
	s10 =	smov.u32 s16  }
.LBB1_1:
0x1e: {  	p1 =	sge.u32 s11, s5  }
0x1f: {  	s14 =	sand.u32 @!p1 $0x1FFFFFF, s9  }
0x20: {  	s15 =	smulhi.u32 @!p1 $0x147AE15, s14;
	_ =	sdelay $0x1  }
0x21: {  	s15 =	smul.u32 @!p1 $0xC8, s15  }
0x22: {  	s16 =	sxor.u32 @!p1 $0xFFFFFFFF, s11;
	s17 =	smul.u32 @!p1 $0xC80, s10  }
0x23: {  	s31 =	sadd.s32 $0xFFFFFFFF, s11;
	s16 =	sshll.u32 @!p1 s16, $0xD;
	s14 =	ssub.s32 @!p1 s14, s15  }
0x24: {  	s15 =	sand.u32 @!p1 $0x2000, s16;
	s16 =	sadd.s32 @!p1 s6, s17;
	s14 =	sshll.u32 @!p1 s14, $0x4  }
0x25: {  	s17 =	simm.s32 @!p1 $0x6400;
	s14 =	sadd.s32 @!p1 s14, s16;
	s16 =	simm.s32 @!p1 $0x40  }
0x26: {  	[tilespmem:s15], [sflag:$0x1] =	stream.strided.gather @!p1 [hbm4b:s14+s16], $0x2000, s17, s16, $0x38;
	[tilespmem:$0x8080] =	vst v63  }
0x27: {  	p1 =	sge.u32 s31, s5  }
.Ltmp2:
0x28: {  	_ = 	snop;
	(pc) =	sbr.rel @p1 .LBB1_5-.Ltmp2, $1  }
0x29: {  	_ =	sdelay $0x3  }
0x2a: {  	s14 =	simm.s32 $0x1  }
0x2b: {  	_ =	swait.ge [sflag:s4], $0x2000;
	s14 =	simm.s32 @!p0 $0x0  }
0x2c: {  	[sflag:s4] =	ssyncset.done $0x0;
	s15 =	sshll.u32 s14, $0xD  }
0x2d: {  	[sflag:s4] =	ssyncadd.s32 $0xFFFFE000;
	s18 =	sor.u32 $0x20, s15  }
0x2e: {  	s14 =	smul.u32 $0x8100, s14;
	v3 =	vld [tilespmem:s18+$0x10]  }
0x2f: {  	s30 =	sand.u32 $0x1, s11;
	v2 =	vld [tilespmem:s18+$0xFFFFFFF0]  }
0x30: {  	s15 =	smul.u32 $0x8100, s30;
	s14 =	sshrl.u32 s14, $0x2;
	v0 =	vld [tilespmem:s18+$0x0]  }
0x31: {  	v1 =	vld [tilespmem:s18+$0xFFFFFFE0];
	s16 =	sor.u32 $0x4000, s14  }
0x32: {  	s31 =	sshrl.u32 s15, $0x2;
	s15 =	sadd.s32 $0x0, s16  }
0x33: {  	s17 =	simm.s32 $0x4;
	s18 =	sadd.s32 $0x40, s18;
	s14 =	sor.u32 $0x4000, s31;
	[tilespmem:s15+$0x1830 ss:$0x81] =	vst.msk $0xffff, v3  }
.LBB1_3:
0x34: {  	v3 =	vld [tilespmem:s18+$0x10];
	p1 =	sne.s32 s17, $0x1FC;
	[tilespmem:s15+$0x810 ss:$0x81] =	vst.msk $0xffff, v2;
	s19 =	smov.u32 s17;
	s17 =	sadd.s32 $0x4, s17  }
.Ltmp3:
0x35: {  	v2 =	vld [tilespmem:s18+$0xFFFFFFF0];
	[tilespmem:s15+$0x1020 ss:$0x81] =	vst.msk $0xffff, v0;
	(pc) =	sbr.rel @p1 .LBB1_3-.Ltmp3, $4  }
0x36: {  	v0 =	vld [tilespmem:s18+$0x0];
	[tilespmem:s15+$0x0 ss:$0x81] =	vst.msk $0xffff, v1  }
0x37: {  	s15 =	sshra.s32 s19, $0x2;
	v1 =	vld [tilespmem:s18+$0xFFFFFFE0]  }
0x38: {  	s15 =	sadd.s32 s15, s16  }
0x39: {  	s18 =	sadd.s32 $0x40, s18;
	[tilespmem:s15+$0x1830 ss:$0x81] =	vst.msk $0xffff, v3  }
.Ltmp4:
0x3a: {  	_ = 	snop;
	(pc) =	sbr.rel .LBB1_4-.Ltmp4, $1  }
0x3b: {  	_ =	sdelay $0x3  }
.LBB1_6:
0x3c: {  	_ =	sfence.sel $0x180000  }
0x3d: {  	s2 =	simm.s32 $0x1;
	[bflag:$0x0] =	sbarrier.arrive $0xFFFF  }
0x3e: {  	s31 =	simm.s32 $0x2;
	[sflag:s2] =	ssyncpa.u1 $0x1  }
0x3f: {  	[sflag:s31] =	ssyncpa.u1 $0x1  }
0x40: {  	p0 =	sne.s32 s0, $0x0;
	_ =	strace $0x9000004A  }
0x41: {  	s0 =	sadd.s32 @!p0 $0x100000, s1;
	[bflag:$0x2] =	sbarrier.arrive $0xFFFF  }
0x42: {  	[sflag:s0] =	ssyncadd.tile.s32 @!p0 $0x1;
	_ =	shalt  }
.Lfunc_end1:
_tile_overlayer_lowered:
.L_overlay_start_2:
0x43: {  	(tag) =	ssettag $0x2  }
0x44: {  	s0 =	rddreg [dreg:$0x0];
	s2 =	stileid.u32  }
0x45: {  	s1 =	rddreg [dreg:$0x1];
	p0 =	sne.s32 s2, $0x0  }
0x46: {  	s3 =	rddreg [dreg:$0x2];
	[bflag:$0x3] =	sbarrier.arrive $0xFFFF;
	s2 =	simm.s32 @!p0 $0x1C01  }
0x47: {  	[timem:s3], [sflag:s2] =	dma.local @!p0 [hbm:s0], s1  }
0x48: {  	s0 =	simm.s32 @!p0 $0x1  }
0x49: {  	_ =	swait.ge @!p0 [sflag:s0], s1  }
0x4a: {  	s1 =	ssub.s32 @!p0 $0x0, s1;
	[sflag:s0] =	ssyncset.done @!p0 $0x0  }
0x4b: {  	[sflag:s0] =	ssyncadd.s32 @!p0 s1  }
0x4c: {  	[bflag:$0x3] =	sbarrier.arrive $0xFFFF  }
0x4d: {  	_ =	shalt  }

</sc_bundles>
